<compile_context>
chip_gen: v7x
topology: tpu7x:2x2x1
jax: 0.10.2.dev20260603
libtpu: 0.0.44.dev20260713+nightly
codegen_flags: <defaults>
</compile_context>

<pallas_src>
import functools

import jax
import jax.numpy as jnp
import numpy as np
from jax import lax
from jax.experimental import pallas as pl
from jax.experimental.pallas import tpu as pltpu
from jax.experimental.pallas import tpu_sc as plsc

NUM_SELECT = 60
NUM_BODY_POINTS = 17
_B = 32
_N = 20000
_C = 2
_NL = _N * _C
_NCH = _NL // 16
_CAP = 4096
_PAD_SEL = 64
_KP_IN = NUM_BODY_POINTS * 2
_KP_COLS = NUM_BODY_POINTS * 3
_GW = 160
_NEG = float("-inf")
_IMAX = 2**31 - 1




def _extract_top60(read_val, write_val, read_idx, nv):
  lane = lax.iota(jnp.int32, 16)

  def round_body(r, carry):
    s0, s1, s2, s3, i0, i1, i2, i3 = carry

    def max_body(k, acc):
      return jnp.maximum(acc, read_val(k))

    mx = lax.fori_loop(0, nv, max_body, jnp.full((16,), _NEG, jnp.float32))
    m = jnp.max(mx)

    def idx_body(k, acc):
      v = read_val(k)
      ii = read_idx(k)
      return jnp.minimum(acc, jnp.where(v == m, ii, _IMAX))

    mi_v = lax.fori_loop(0, nv, idx_body, jnp.full((16,), _IMAX, jnp.int32))
    mi = -jnp.max(-mi_v)

    def clear_body(k, c):
      v = read_val(k)
      ii = read_idx(k)
      write_val(k, jnp.where(ii == mi, _NEG, v))
      return c

    lax.fori_loop(0, nv, clear_body, 0)

    lane_hit = lane == (r & 15)
    slot = r >> 4
    mv = jnp.full((16,), m, jnp.float32)
    iv = jnp.full((16,), mi, jnp.int32)
    s0 = jnp.where(jnp.logical_and(lane_hit, slot == 0), mv, s0)
    s1 = jnp.where(jnp.logical_and(lane_hit, slot == 1), mv, s1)
    s2 = jnp.where(jnp.logical_and(lane_hit, slot == 2), mv, s2)
    s3 = jnp.where(jnp.logical_and(lane_hit, slot == 3), mv, s3)
    i0 = jnp.where(jnp.logical_and(lane_hit, slot == 0), iv, i0)
    i1 = jnp.where(jnp.logical_and(lane_hit, slot == 1), iv, i1)
    i2 = jnp.where(jnp.logical_and(lane_hit, slot == 2), iv, i2)
    i3 = jnp.where(jnp.logical_and(lane_hit, slot == 3), iv, i3)
    return s0, s1, s2, s3, i0, i1, i2, i3

  zf = jnp.zeros((16,), jnp.float32)
  zi = jnp.zeros((16,), jnp.int32)
  return lax.fori_loop(0, NUM_SELECT, round_body,
                       (zf, zf, zf, zf, zi, zi, zi, zi))


def _sc_body(logits_hbm, scores_hbm, labels_hbm, nidx_hbm,
             x_v, cv, ci, sc_v, lb_v, ni_v):
  b = lax.axis_index("s") * 2 + lax.axis_index("c")

  pltpu.sync_copy(logits_hbm.at[b], x_v)

  lane = lax.iota(jnp.int32, 16)
  negv = jnp.full((16,), _NEG, jnp.float32)

  def log_idx(k):
    p = lane + k * 16
    c = (p >= _N).astype(jnp.int32)
    return 2 * p - (_NL - 1) * c

  def p1(q, carry):
    r0, r1, r2, r3 = carry
    for u in range(4):
      v = x_v[pl.ds((q * 4 + u) * 16, 16)]
      b0 = jnp.maximum(r0, v)
      v1 = jnp.minimum(r0, v)
      b1 = jnp.maximum(r1, v1)
      v2 = jnp.minimum(r1, v1)
      b2 = jnp.maximum(r2, v2)
      v3 = jnp.minimum(r2, v2)
      r0, r1, r2, r3 = b0, b1, b2, jnp.maximum(r3, v3)
    return r0, r1, r2, r3

  _, _, _, r3 = lax.fori_loop(0, _NCH // 4, p1, (negv, negv, negv, negv))
  t = -jnp.max(-r3)
  tv = jnp.full((16,), t, jnp.float32)

  def p2(q, pos):
    ms = []
    for u in range(4):
      k = q * 4 + u
      v = x_v[pl.ds(k * 16, 16)]
      m = v >= tv
      ms.append((k, v, m, plsc.all_reduce_population_count(m)))
    for k, v, m, pc in ms:
      ps = jnp.minimum(pos, _CAP)
      plsc.store_compressed(cv.at[pl.ds(ps, 16)], v, mask=m)
      plsc.store_compressed(ci.at[pl.ds(ps, 16)], log_idx(k), mask=m)
      pos = pos + jnp.max(pc)
    return pos

  cnt = lax.fori_loop(0, _NCH // 4, p2, 0)

  ps = jnp.minimum(cnt, _CAP)
  cv[pl.ds(ps, 16)] = negv
  ci[pl.ds(ps, 16)] = jnp.full((16,), _IMAX, jnp.int32)

  def main_path(_):
    nv = (jnp.minimum(cnt, _CAP) + 15) >> 4

    def rv(k):
      return cv[pl.ds(k * 16, 16)]

    def wv(k, x):
      cv[pl.ds(k * 16, 16)] = x

    def ri(k):
      return ci[pl.ds(k * 16, 16)]

    return _extract_top60(rv, wv, ri, nv)

  def slow_path(_):
    def rv(k):
      return x_v[pl.ds(k * 16, 16)]

    def wv(k, x):
      x_v[pl.ds(k * 16, 16)] = x

    return _extract_top60(rv, wv, log_idx, _NCH)

  s0, s1, s2, s3, i0, i1, i2, i3 = lax.cond(
      cnt <= _CAP, main_path, slow_path, 0)

  one = jnp.float32(1.0)
  for s, (svreg, ivreg) in enumerate(
      ((s0, i0), (s1, i1), (s2, i2), (s3, i3))):
    sc_v[pl.ds(s * 16, 16)] = one / (one + jnp.exp(-svreg))
    lb_v[pl.ds(s * 16, 16)] = ivreg & 1
    ni_v[pl.ds(s * 16, 16)] = ivreg >> 1

  pltpu.sync_copy(sc_v, scores_hbm.at[b])
  pltpu.sync_copy(lb_v, labels_hbm.at[b])
  pltpu.sync_copy(ni_v, nidx_hbm.at[b])


def _sc_select(logits_t):
  mesh = plsc.VectorSubcoreMesh(core_axis_name="c", subcore_axis_name="s")
  f = pl.kernel(
      _sc_body,
      out_type=(
          jax.ShapeDtypeStruct((_B, _PAD_SEL), jnp.float32),
          jax.ShapeDtypeStruct((_B, _PAD_SEL), jnp.int32),
          jax.ShapeDtypeStruct((_B, _PAD_SEL), jnp.int32),
      ),
      mesh=mesh,
      compiler_params=pltpu.CompilerParams(needs_layout_passes=False),
      scratch_types=[
          pltpu.VMEM((_NL,), jnp.float32),
          pltpu.VMEM((_CAP + 16,), jnp.float32),
          pltpu.VMEM((_CAP + 16,), jnp.int32),
          pltpu.VMEM((_PAD_SEL,), jnp.float32),
          pltpu.VMEM((_PAD_SEL,), jnp.int32),
          pltpu.VMEM((_PAD_SEL,), jnp.int32),
      ],
  )
  return f(logits_t)




def _tc_body(ts_smem, kp_hbm, nidx_ref, m_ref, out_ref,
             slab0, slab1, sem0, sem1):
  b = pl.program_id(0)

  @pl.when(b == 0)
  def _():
    pltpu.make_async_copy(kp_hbm.at[:, 0, :], slab0, sem0).start()

  def step(cur_slab, cur_sem, nxt_slab, nxt_sem):
    @pl.when(b + 1 < _B)
    def _():
      pltpu.make_async_copy(kp_hbm.at[:, b + 1, :], nxt_slab, nxt_sem).start()

    pltpu.make_async_copy(kp_hbm.at[:, b, :], cur_slab, cur_sem).wait()

    ks = lax.broadcasted_iota(jnp.int32, (_N, _PAD_SEL), 0)
    oh = (ks == nidx_ref[0]).astype(jnp.float32)
    cols = jax.lax.dot_general(
        cur_slab[...], oh, (((1,), (0,)), ((), ())),
        preferred_element_type=jnp.float32)

    rows = cols.T
    mm = jax.lax.dot_general(
        rows, m_ref[...], (((1,), (0,)), ((), ())),
        precision=lax.Precision.HIGHEST,
        preferred_element_type=jnp.float32)
    hh = ts_smem[b, 0]
    ww = ts_smem[b, 1]
    rem = lax.broadcasted_iota(jnp.int32, (_PAD_SEL, _KP_COLS), 1) % 3
    svec = jnp.where(rem == 0, ww, jnp.where(rem == 1, hh, 0.0))
    ones = jnp.where(rem == 2, 1.0, 0.0)
    out_ref[0] = mm * svec + ones

  @pl.when((b & 1) == 0)
  def _():
    step(slab0, sem0, slab1, sem1)

  @pl.when((b & 1) == 1)
  def _():
    step(slab1, sem1, slab0, sem0)


def _tc_gather(nidx, target_sizes, kp_t, mmat):
  return pl.pallas_call(
      _tc_body,
      grid_spec=pltpu.PrefetchScalarGridSpec(
          num_scalar_prefetch=1,
          grid=(_B,),
          in_specs=[
              pl.BlockSpec(memory_space=pl.ANY),
              pl.BlockSpec((1, 1, _PAD_SEL), lambda b, tref: (b, 0, 0)),
              pl.BlockSpec((_KP_IN, _KP_COLS), lambda b, tref: (0, 0)),
          ],
          out_specs=pl.BlockSpec(
              (1, _PAD_SEL, _KP_COLS), lambda b, tref: (b, 0, 0)),
          scratch_shapes=[
              pltpu.VMEM((_KP_IN, _N), jnp.float32),
              pltpu.VMEM((_KP_IN, _N), jnp.float32),
              pltpu.SemaphoreType.DMA,
              pltpu.SemaphoreType.DMA,
          ],
      ),
      out_shape=jax.ShapeDtypeStruct((_B, _PAD_SEL, _KP_COLS), jnp.float32),
  )(target_sizes, kp_t, nidx.reshape(_B, 1, _PAD_SEL), mmat)


def _build_mmat():
  m = np.zeros((_KP_IN, _KP_COLS), np.float32)
  for j in range(_KP_IN):
    m[j, 3 * (j // 2) + (j % 2)] = 1.0
  return m


@jax.jit
def _post_process(pred_logits, pred_keypoints, target_sizes):
  logits_t = jnp.transpose(pred_logits, (0, 2, 1)).reshape(_B, _NL)
  kp_t = jnp.transpose(pred_keypoints, (2, 0, 1))
  scores_p, labels_p, nidx = _sc_select(logits_t)
  mmat = jnp.asarray(_build_mmat())
  kp_p = _tc_gather(nidx, target_sizes, kp_t, mmat)
  return (scores_p[:, :NUM_SELECT],
          labels_p[:, :NUM_SELECT],
          kp_p[:, :NUM_SELECT, :])


def kernel(pred_logits, pred_keypoints, target_sizes):
  return _post_process(pred_logits, pred_keypoints, target_sizes)

# --- scband reference (transcript-rebuilt; emitter-appended) ---
"""Pipeline reference for scband-post-process-60567628808642 (READ-ONLY COPY).

The authoritative reference and input builder live on the scoring server;
editing this copy changes nothing except your own understanding.
"""

import jax, jax.numpy as jnp
import numpy as np

NUM_SELECT = 60
NUM_BODY_POINTS = 17


def setup_inputs(seed: int = 0) -> dict:
    key = jax.random.key(seed)
    k1, k2, k3 = jax.random.split(key, 3)
    pred_logits = jax.random.normal(k1, (32, 20000, 2), dtype=jnp.float32)
    pred_keypoints = jax.random.uniform(k2, (32, 20000, NUM_BODY_POINTS * 2), dtype=jnp.float32)
    target_sizes = jax.random.uniform(k3, (32, 2), dtype=jnp.float32) * 1000.0 + 200.0
    return {"pred_logits": pred_logits, "pred_keypoints": pred_keypoints, "target_sizes": target_sizes}


def reference(pred_logits, pred_keypoints, target_sizes):
    B, N, C = pred_logits.shape
    prob = jax.nn.sigmoid(pred_logits).reshape(B, -1)
    topk_values, topk_indexes = jax.lax.top_k(prob, NUM_SELECT)
    scores = topk_values
    topk_keypoints = topk_indexes // C
    labels = topk_indexes % C
    idx = jnp.broadcast_to(topk_keypoints[..., None], (B, NUM_SELECT, NUM_BODY_POINTS * 2))
    keypoints = jnp.take_along_axis(pred_keypoints, idx, axis=1)
    img_h = target_sizes[:, 0]
    img_w = target_sizes[:, 1]
    scale = jnp.tile(jnp.stack([img_w, img_h], axis=1), (1, NUM_BODY_POINTS))[:, None, :]
    keypoints = keypoints * scale
    keypoints_res = keypoints.reshape(B, NUM_SELECT, NUM_BODY_POINTS, 2)
    keypoints_res = jnp.concatenate([keypoints_res, jnp.ones_like(keypoints_res[..., 0:1])], axis=-1)
    keypoints_res = keypoints_res.reshape(B, NUM_SELECT, NUM_BODY_POINTS * 3)
    return scores, labels, keypoints_res

if __name__ == "__main__":
    import jax
    _d = setup_inputs()
    print(jax.jit(kernel)(*tuple(_d.values())))

</pallas_src>

<mosaic_0001>
#map = affine_map<(d0, d1) -> (0, 0)>
module attributes {stable_mosaic.version = 14 : i64} {
  func.func @_sc_body(%arg0: i32, %arg1: i32, %arg2: memref<32x40000xf32, #tpu.memory_space<hbm>>, %arg3: memref<32x64xf32, #tpu.memory_space<hbm>>, %arg4: memref<32x64xi32, #tpu.memory_space<hbm>>, %arg5: memref<32x64xi32, #tpu.memory_space<hbm>>, %arg6: memref<40000xf32, #tpu.memory_space<vmem>>, %arg7: memref<4112xf32, #tpu.memory_space<vmem>>, %arg8: memref<4112xi32, #tpu.memory_space<vmem>>, %arg9: memref<64xf32, #tpu.memory_space<vmem>>, %arg10: memref<64xi32, #tpu.memory_space<vmem>>, %arg11: memref<64xi32, #tpu.memory_space<vmem>>) attributes {dimension_semantics = [#tpu.dimension_semantics<core_parallel>, #tpu.dimension_semantics<subcore_parallel>], iteration_bounds = array<i64: 2, 16>, scalar_prefetch = 0 : i64, scratch_operands = 6 : i64, tpu.core_type = #tpu.core_type<sc_vector_subcore>, window_params = [{transform_indices = #map}, {transform_indices = #map}, {transform_indices = #map}, {transform_indices = #map}]} {
    %mul3A = arith.constant 2 : i32
    %mul3A_0 = arith.muli %arg1, %mul3A : i32
    %add3A = arith.addi %mul3A_0, %arg0 : i32
    "tpu.region"() ({
      %run_scoped3A = tpu.sem_alloc : memref<!tpu.dma_semaphore, #tpu.memory_space<semaphore_mem>>
      %dma_start3A = arith.constant 0 : i32
      %dma_start3A_116 = tpu.memref_slice %arg2[%add3A, %dma_start3A] : memref<32x40000xf32, #tpu.memory_space<hbm>> -> memref<1x40000xf32, #tpu.memory_space<hbm>>
      %dma_start3A_117 = tpu.memref_squeeze %dma_start3A_116 : memref<1x40000xf32, #tpu.memory_space<hbm>> -> memref<40000xf32, #tpu.memory_space<hbm>>
      %dma_start3A_118 = arith.constant 0 : i32
      %dma_start3A_119 = tpu.memref_slice %arg2[%add3A, %dma_start3A_118] : memref<32x40000xf32, #tpu.memory_space<hbm>> -> memref<1x40000xf32, #tpu.memory_space<hbm>>
      %dma_start3A_120 = tpu.memref_squeeze %dma_start3A_119 : memref<1x40000xf32, #tpu.memory_space<hbm>> -> memref<40000xf32, #tpu.memory_space<hbm>>
      tpu.enqueue_dma source(%dma_start3A_120 : memref<40000xf32, #tpu.memory_space<hbm>>) target(%arg6 : memref<40000xf32, #tpu.memory_space<vmem>>) target_semaphore(%run_scoped3A : memref<!tpu.dma_semaphore, #tpu.memory_space<semaphore_mem>>)
      %dma_wait3A = arith.constant 0 : i32
      %dma_wait3A_121 = tpu.memref_slice %arg2[%add3A, %dma_wait3A] : memref<32x40000xf32, #tpu.memory_space<hbm>> -> memref<1x40000xf32, #tpu.memory_space<hbm>>
      %dma_wait3A_122 = tpu.memref_squeeze %dma_wait3A_121 : memref<1x40000xf32, #tpu.memory_space<hbm>> -> memref<40000xf32, #tpu.memory_space<hbm>>
      %dma_wait3A_123 = arith.constant 0 : i32
      %dma_wait3A_124 = tpu.memref_slice %arg2[%add3A, %dma_wait3A_123] : memref<32x40000xf32, #tpu.memory_space<hbm>> -> memref<1x40000xf32, #tpu.memory_space<hbm>>
      %dma_wait3A_125 = tpu.memref_squeeze %dma_wait3A_124 : memref<1x40000xf32, #tpu.memory_space<hbm>> -> memref<40000xf32, #tpu.memory_space<hbm>>
      tpu.wait_dma2 semaphore(%run_scoped3A : memref<!tpu.dma_semaphore, #tpu.memory_space<semaphore_mem>>) src(%dma_wait3A_125 : memref<40000xf32, #tpu.memory_space<hbm>>) dst(%arg6 : memref<40000xf32, #tpu.memory_space<vmem>>)
      tpu.yield
    }) : () -> ()
    %iota3A = tpu.iota {dimensions = array<i32: 0>} : vector<16xi32>
    %broadcast_in_dim3A = arith.constant 0xFF800000 : f32
    %broadcast_in_dim3A_1 = vector.broadcast %broadcast_in_dim3A : f32 to vector<16xf32>
    %scan3A = arith.constant 0 : i32
    %scan3A_2 = arith.constant 625 : i32
    %scan3A_3 = arith.addi %scan3A, %scan3A_2 : i32
    %scan3A_4 = arith.constant 1 : i32
    %scan3A_5:4 = scf.for %scan3A_116 = %scan3A to %scan3A_3 step %scan3A_4 iter_args(%scan3A_117 = %broadcast_in_dim3A_1, %scan3A_118 = %broadcast_in_dim3A_1, %scan3A_119 = %broadcast_in_dim3A_1, %scan3A_120 = %broadcast_in_dim3A_1) -> (vector<16xf32>, vector<16xf32>, vector<16xf32>, vector<16xf32>)  : i32 {
      %mul3A_121 = arith.constant 4 : i32
      %mul3A_122 = arith.muli %scan3A_116, %mul3A_121 : i32
      %add3A_123 = arith.constant 0 : i32
      %add3A_124 = arith.addi %mul3A_122, %add3A_123 : i32
      %mul3A_125 = arith.constant 16 : i32
      %mul3A_126 = arith.muli %add3A_124, %mul3A_125 : i32
      %get3A = arith.index_cast %mul3A_126 : i32 to index
      %get3A_127 = tpu.vector_load %arg6[%get3A] {strides = array<i32>} : memref<40000xf32, #tpu.memory_space<vmem>>, vector<16xf32>,
      %max3A = arith.maximumf %scan3A_117, %get3A_127 : vector<16xf32>
      %min3A_128 = arith.minimumf %scan3A_117, %get3A_127 : vector<16xf32>
      %max3A_129 = arith.maximumf %scan3A_118, %min3A_128 : vector<16xf32>
      %min3A_130 = arith.minimumf %scan3A_118, %min3A_128 : vector<16xf32>
      %max3A_131 = arith.maximumf %scan3A_119, %min3A_130 : vector<16xf32>
      %min3A_132 = arith.minimumf %scan3A_119, %min3A_130 : vector<16xf32>
      %max3A_133 = arith.maximumf %scan3A_120, %min3A_132 : vector<16xf32>
      %mul3A_134 = arith.constant 4 : i32
      %mul3A_135 = arith.muli %scan3A_116, %mul3A_134 : i32
      %add3A_136 = arith.constant 1 : i32
      %add3A_137 = arith.addi %mul3A_135, %add3A_136 : i32
      %mul3A_138 = arith.constant 16 : i32
      %mul3A_139 = arith.muli %add3A_137, %mul3A_138 : i32
      %get3A_140 = arith.index_cast %mul3A_139 : i32 to index
      %get3A_141 = tpu.vector_load %arg6[%get3A_140] {strides = array<i32>} : memref<40000xf32, #tpu.memory_space<vmem>>, vector<16xf32>,
      %max3A_142 = arith.maximumf %max3A, %get3A_141 : vector<16xf32>
      %min3A_143 = arith.minimumf %max3A, %get3A_141 : vector<16xf32>
      %max3A_144 = arith.maximumf %max3A_129, %min3A_143 : vector<16xf32>
      %min3A_145 = arith.minimumf %max3A_129, %min3A_143 : vector<16xf32>
      %max3A_146 = arith.maximumf %max3A_131, %min3A_145 : vector<16xf32>
      %min3A_147 = arith.minimumf %max3A_131, %min3A_145 : vector<16xf32>
      %max3A_148 = arith.maximumf %max3A_133, %min3A_147 : vector<16xf32>
      %mul3A_149 = arith.constant 4 : i32
      %mul3A_150 = arith.muli %scan3A_116, %mul3A_149 : i32
      %add3A_151 = arith.constant 2 : i32
      %add3A_152 = arith.addi %mul3A_150, %add3A_151 : i32
      %mul3A_153 = arith.constant 16 : i32
      %mul3A_154 = arith.muli %add3A_152, %mul3A_153 : i32
      %get3A_155 = arith.index_cast %mul3A_154 : i32 to index
      %get3A_156 = tpu.vector_load %arg6[%get3A_155] {strides = array<i32>} : memref<40000xf32, #tpu.memory_space<vmem>>, vector<16xf32>,
      %max3A_157 = arith.maximumf %max3A_142, %get3A_156 : vector<16xf32>
      %min3A_158 = arith.minimumf %max3A_142, %get3A_156 : vector<16xf32>
      %max3A_159 = arith.maximumf %max3A_144, %min3A_158 : vector<16xf32>
      %min3A_160 = arith.minimumf %max3A_144, %min3A_158 : vector<16xf32>
      %max3A_161 = arith.maximumf %max3A_146, %min3A_160 : vector<16xf32>
      %min3A_162 = arith.minimumf %max3A_146, %min3A_160 : vector<16xf32>
      %max3A_163 = arith.maximumf %max3A_148, %min3A_162 : vector<16xf32>
      %mul3A_164 = arith.constant 4 : i32
      %mul3A_165 = arith.muli %scan3A_116, %mul3A_164 : i32
      %add3A_166 = arith.constant 3 : i32
      %add3A_167 = arith.addi %mul3A_165, %add3A_166 : i32
      %mul3A_168 = arith.constant 16 : i32
      %mul3A_169 = arith.muli %add3A_167, %mul3A_168 : i32
      %get3A_170 = arith.index_cast %mul3A_169 : i32 to index
      %get3A_171 = tpu.vector_load %arg6[%get3A_170] {strides = array<i32>} : memref<40000xf32, #tpu.memory_space<vmem>>, vector<16xf32>,
      %max3A_172 = arith.maximumf %max3A_157, %get3A_171 : vector<16xf32>
      %min3A_173 = arith.minimumf %max3A_157, %get3A_171 : vector<16xf32>
      %max3A_174 = arith.maximumf %max3A_159, %min3A_173 : vector<16xf32>
      %min3A_175 = arith.minimumf %max3A_159, %min3A_173 : vector<16xf32>
      %max3A_176 = arith.maximumf %max3A_161, %min3A_175 : vector<16xf32>
      %min3A_177 = arith.minimumf %max3A_161, %min3A_175 : vector<16xf32>
      %max3A_178 = arith.maximumf %max3A_163, %min3A_177 : vector<16xf32>
      scf.yield %max3A_172, %max3A_174, %max3A_176, %max3A_178 : vector<16xf32>, vector<16xf32>, vector<16xf32>, vector<16xf32>
    }
    %scan3A_6 = arith.constant 625 : i32
    %neg3A = arith.constant 0.000000e+00 : f32
    %neg3A_7 = vector.broadcast %neg3A : f32 to vector<16xf32>
    %neg3A_8 = arith.subf %neg3A_7, %scan3A_5#3 : vector<16xf32>
    %reduce_max3A = arith.constant true
    %reduce_max3A_9 = vector.broadcast %reduce_max3A : i1 to vector<16xi1>
    %reduce_max3A_10 = tpu.scan <max>, %neg3A_8 masked %reduce_max3A_9 : vector<16xf32>, vector<16xi1> -> vector<16xf32>
    %reduce_max3A_11 = vector.extract %reduce_max3A_10[15] : f32 from vector<16xf32>
    %neg3A_12 = arith.constant 0.000000e+00 : f32
    %neg3A_13 = arith.subf %neg3A_12, %reduce_max3A_11 : f32
    %broadcast_in_dim3A_14 = vector.broadcast %neg3A_13 : f32 to vector<16xf32>
    %scan3A_15 = arith.constant 0 : i32
    %scan3A_16 = arith.constant 0 : i32
    %scan3A_17 = arith.constant 625 : i32
    %scan3A_18 = arith.addi %scan3A_16, %scan3A_17 : i32
    %scan3A_19 = arith.constant 1 : i32
    %scan3A_20 = scf.for %scan3A_116 = %scan3A_16 to %scan3A_18 step %scan3A_19 iter_args(%scan3A_117 = %scan3A_15) -> (i32)  : i32 {
      %mul3A_118 = arith.constant 4 : i32
      %mul3A_119 = arith.muli %scan3A_116, %mul3A_118 : i32
      %add3A_120 = arith.constant 0 : i32
      %add3A_121 = arith.addi %mul3A_119, %add3A_120 : i32
      %mul3A_122 = arith.constant 16 : i32
      %mul3A_123 = arith.muli %add3A_121, %mul3A_122 : i32
      %get3A = arith.index_cast %mul3A_123 : i32 to index
      %get3A_124 = tpu.vector_load %arg6[%get3A] {strides = array<i32>} : memref<40000xf32, #tpu.memory_space<vmem>>, vector<16xf32>,
      %ge3A = arith.cmpf oge, %get3A_124, %broadcast_in_dim3A_14 : vector<16xf32>
      %all_reduce_population_count3A = tpu.all_reduce %ge3A {dim = 0 : i64, kind = #tpu.reduction_kind<sum>} : vector<16xi1> -> vector<16xi32>
      %mul3A_125 = arith.constant 4 : i32
      %mul3A_126 = arith.muli %scan3A_116, %mul3A_125 : i32
      %add3A_127 = arith.constant 1 : i32
      %add3A_128 = arith.addi %mul3A_126, %add3A_127 : i32
      %mul3A_129 = arith.constant 16 : i32
      %mul3A_130 = arith.muli %add3A_128, %mul3A_129 : i32
      %get3A_131 = arith.index_cast %mul3A_130 : i32 to index
      %get3A_132 = tpu.vector_load %arg6[%get3A_131] {strides = array<i32>} : memref<40000xf32, #tpu.memory_space<vmem>>, vector<16xf32>,
      %ge3A_133 = arith.cmpf oge, %get3A_132, %broadcast_in_dim3A_14 : vector<16xf32>
      %all_reduce_population_count3A_134 = tpu.all_reduce %ge3A_133 {dim = 0 : i64, kind = #tpu.reduction_kind<sum>} : vector<16xi1> -> vector<16xi32>
      %mul3A_135 = arith.constant 4 : i32
      %mul3A_136 = arith.muli %scan3A_116, %mul3A_135 : i32
      %add3A_137 = arith.constant 2 : i32
      %add3A_138 = arith.addi %mul3A_136, %add3A_137 : i32
      %mul3A_139 = arith.constant 16 : i32
      %mul3A_140 = arith.muli %add3A_138, %mul3A_139 : i32
      %get3A_141 = arith.index_cast %mul3A_140 : i32 to index
      %get3A_142 = tpu.vector_load %arg6[%get3A_141] {strides = array<i32>} : memref<40000xf32, #tpu.memory_space<vmem>>, vector<16xf32>,
      %ge3A_143 = arith.cmpf oge, %get3A_142, %broadcast_in_dim3A_14 : vector<16xf32>
      %all_reduce_population_count3A_144 = tpu.all_reduce %ge3A_143 {dim = 0 : i64, kind = #tpu.reduction_kind<sum>} : vector<16xi1> -> vector<16xi32>
      %mul3A_145 = arith.constant 4 : i32
      %mul3A_146 = arith.muli %scan3A_116, %mul3A_145 : i32
      %add3A_147 = arith.constant 3 : i32
      %add3A_148 = arith.addi %mul3A_146, %add3A_147 : i32
      %mul3A_149 = arith.constant 16 : i32
      %mul3A_150 = arith.muli %add3A_148, %mul3A_149 : i32
      %get3A_151 = arith.index_cast %mul3A_150 : i32 to index
      %get3A_152 = tpu.vector_load %arg6[%get3A_151] {strides = array<i32>} : memref<40000xf32, #tpu.memory_space<vmem>>, vector<16xf32>,
      %ge3A_153 = arith.cmpf oge, %get3A_152, %broadcast_in_dim3A_14 : vector<16xf32>
      %all_reduce_population_count3A_154 = tpu.all_reduce %ge3A_153 {dim = 0 : i64, kind = #tpu.reduction_kind<sum>} : vector<16xi1> -> vector<16xi32>
      %min3A_155 = arith.constant 4096 : i32
      %min3A_156 = arith.minsi %scan3A_117, %min3A_155 : i32
      %swap3A_157 = arith.index_cast %min3A_156 : i32 to index
      %swap3A_158 = tpu.vector_load %arg7[%swap3A_157] masked %ge3A {strides = array<i32>} : memref<4112xf32, #tpu.memory_space<vmem>>, vector<16xf32>, vector<16xi1>
      tpu.vector_store %arg7[%swap3A_157], %get3A_124 masked %ge3A {strides = array<i32>} : memref<4112xf32, #tpu.memory_space<vmem>>, vector<16xf32>, vector<16xi1>
      %mul3A_159 = arith.constant 16 : i32
      %mul3A_160 = arith.muli %add3A_121, %mul3A_159 : i32
      %add3A_161 = vector.broadcast %mul3A_160 : i32 to vector<16xi32>
      %add3A_162 = arith.addi %iota3A, %add3A_161 : vector<16xi32>
      %ge3A_163 = arith.constant 20000 : i32
      %ge3A_164 = vector.broadcast %ge3A_163 : i32 to vector<16xi32>
      %ge3A_165 = arith.cmpi sge, %add3A_162, %ge3A_164 : vector<16xi32>
      %convert_element_type3A_166 = arith.extui %ge3A_165 : vector<16xi1> to vector<16xi32>
      %mul3A_167 = arith.constant 2 : i32
      %mul3A_168 = vector.broadcast %mul3A_167 : i32 to vector<16xi32>
      %mul3A_169 = arith.muli %mul3A_168, %add3A_162 : vector<16xi32>
      %mul3A_170 = arith.constant 39999 : i32
      %mul3A_171 = vector.broadcast %mul3A_170 : i32 to vector<16xi32>
      %mul3A_172 = arith.muli %mul3A_171, %convert_element_type3A_166 : vector<16xi32>
      %sub3A = arith.subi %mul3A_169, %mul3A_172 : vector<16xi32>
      %swap3A_173 = arith.index_cast %min3A_156 : i32 to index
      %swap3A_174 = tpu.vector_load %arg8[%swap3A_173] masked %ge3A {strides = array<i32>} : memref<4112xi32, #tpu.memory_space<vmem>>, vector<16xi32>, vector<16xi1>
      tpu.vector_store %arg8[%swap3A_173], %sub3A masked %ge3A {strides = array<i32>} : memref<4112xi32, #tpu.memory_space<vmem>>, vector<16xi32>, vector<16xi1>
      %reduce_max3A_175 = arith.constant true
      %reduce_max3A_176 = vector.broadcast %reduce_max3A_175 : i1 to vector<16xi1>
      %reduce_max3A_177 = arith.constant -2147483648 : i32
      %reduce_max3A_178 = vector.broadcast %reduce_max3A_177 : i32 to vector<16xi32>
      %reduce_max3A_179 = arith.xori %all_reduce_population_count3A, %reduce_max3A_178 : vector<16xi32>
      %reduce_max3A_180 = tpu.scan <max>, %reduce_max3A_179 masked %reduce_max3A_176 : vector<16xi32>, vector<16xi1> -> vector<16xi32>
      %reduce_max3A_181 = arith.xori %reduce_max3A_180, %reduce_max3A_178 : vector<16xi32>
      %reduce_max3A_182 = vector.extract %reduce_max3A_181[15] : i32 from vector<16xi32>
      %add3A_183 = arith.addi %scan3A_117, %reduce_max3A_182 : i32
      %min3A_184 = arith.constant 4096 : i32
      %min3A_185 = arith.minsi %add3A_183, %min3A_184 : i32
      %swap3A_186 = arith.index_cast %min3A_185 : i32 to index
      %swap3A_187 = tpu.vector_load %arg7[%swap3A_186] masked %ge3A_133 {strides = array<i32>} : memref<4112xf32, #tpu.memory_space<vmem>>, vector<16xf32>, vector<16xi1>
      tpu.vector_store %arg7[%swap3A_186], %get3A_132 masked %ge3A_133 {strides = array<i32>} : memref<4112xf32, #tpu.memory_space<vmem>>, vector<16xf32>, vector<16xi1>
      %mul3A_188 = arith.constant 16 : i32
      %mul3A_189 = arith.muli %add3A_128, %mul3A_188 : i32
      %add3A_190 = vector.broadcast %mul3A_189 : i32 to vector<16xi32>
      %add3A_191 = arith.addi %iota3A, %add3A_190 : vector<16xi32>
      %ge3A_192 = arith.constant 20000 : i32
      %ge3A_193 = vector.broadcast %ge3A_192 : i32 to vector<16xi32>
      %ge3A_194 = arith.cmpi sge, %add3A_191, %ge3A_193 : vector<16xi32>
      %convert_element_type3A_195 = arith.extui %ge3A_194 : vector<16xi1> to vector<16xi32>
      %mul3A_196 = arith.constant 2 : i32
      %mul3A_197 = vector.broadcast %mul3A_196 : i32 to vector<16xi32>
      %mul3A_198 = arith.muli %mul3A_197, %add3A_191 : vector<16xi32>
      %mul3A_199 = arith.constant 39999 : i32
      %mul3A_200 = vector.broadcast %mul3A_199 : i32 to vector<16xi32>
      %mul3A_201 = arith.muli %mul3A_200, %convert_element_type3A_195 : vector<16xi32>
      %sub3A_202 = arith.subi %mul3A_198, %mul3A_201 : vector<16xi32>
      %swap3A_203 = arith.index_cast %min3A_185 : i32 to index
      %swap3A_204 = tpu.vector_load %arg8[%swap3A_203] masked %ge3A_133 {strides = array<i32>} : memref<4112xi32, #tpu.memory_space<vmem>>, vector<16xi32>, vector<16xi1>
      tpu.vector_store %arg8[%swap3A_203], %sub3A_202 masked %ge3A_133 {strides = array<i32>} : memref<4112xi32, #tpu.memory_space<vmem>>, vector<16xi32>, vector<16xi1>
      %reduce_max3A_205 = arith.constant true
      %reduce_max3A_206 = vector.broadcast %reduce_max3A_205 : i1 to vector<16xi1>
      %reduce_max3A_207 = arith.constant -2147483648 : i32
      %reduce_max3A_208 = vector.broadcast %reduce_max3A_207 : i32 to vector<16xi32>
      %reduce_max3A_209 = arith.xori %all_reduce_population_count3A_134, %reduce_max3A_208 : vector<16xi32>
      %reduce_max3A_210 = tpu.scan <max>, %reduce_max3A_209 masked %reduce_max3A_206 : vector<16xi32>, vector<16xi1> -> vector<16xi32>
      %reduce_max3A_211 = arith.xori %reduce_max3A_210, %reduce_max3A_208 : vector<16xi32>
      %reduce_max3A_212 = vector.extract %reduce_max3A_211[15] : i32 from vector<16xi32>
      %add3A_213 = arith.addi %add3A_183, %reduce_max3A_212 : i32
      %min3A_214 = arith.constant 4096 : i32
      %min3A_215 = arith.minsi %add3A_213, %min3A_214 : i32
      %swap3A_216 = arith.index_cast %min3A_215 : i32 to index
      %swap3A_217 = tpu.vector_load %arg7[%swap3A_216] masked %ge3A_143 {strides = array<i32>} : memref<4112xf32, #tpu.memory_space<vmem>>, vector<16xf32>, vector<16xi1>
      tpu.vector_store %arg7[%swap3A_216], %get3A_142 masked %ge3A_143 {strides = array<i32>} : memref<4112xf32, #tpu.memory_space<vmem>>, vector<16xf32>, vector<16xi1>
      %mul3A_218 = arith.constant 16 : i32
      %mul3A_219 = arith.muli %add3A_138, %mul3A_218 : i32
      %add3A_220 = vector.broadcast %mul3A_219 : i32 to vector<16xi32>
      %add3A_221 = arith.addi %iota3A, %add3A_220 : vector<16xi32>
      %ge3A_222 = arith.constant 20000 : i32
      %ge3A_223 = vector.broadcast %ge3A_222 : i32 to vector<16xi32>
      %ge3A_224 = arith.cmpi sge, %add3A_221, %ge3A_223 : vector<16xi32>
      %convert_element_type3A_225 = arith.extui %ge3A_224 : vector<16xi1> to vector<16xi32>
      %mul3A_226 = arith.constant 2 : i32
      %mul3A_227 = vector.broadcast %mul3A_226 : i32 to vector<16xi32>
      %mul3A_228 = arith.muli %mul3A_227, %add3A_221 : vector<16xi32>
      %mul3A_229 = arith.constant 39999 : i32
      %mul3A_230 = vector.broadcast %mul3A_229 : i32 to vector<16xi32>
      %mul3A_231 = arith.muli %mul3A_230, %convert_element_type3A_225 : vector<16xi32>
      %sub3A_232 = arith.subi %mul3A_228, %mul3A_231 : vector<16xi32>
      %swap3A_233 = arith.index_cast %min3A_215 : i32 to index
      %swap3A_234 = tpu.vector_load %arg8[%swap3A_233] masked %ge3A_143 {strides = array<i32>} : memref<4112xi32, #tpu.memory_space<vmem>>, vector<16xi32>, vector<16xi1>
      tpu.vector_store %arg8[%swap3A_233], %sub3A_232 masked %ge3A_143 {strides = array<i32>} : memref<4112xi32, #tpu.memory_space<vmem>>, vector<16xi32>, vector<16xi1>
      %reduce_max3A_235 = arith.constant true
      %reduce_max3A_236 = vector.broadcast %reduce_max3A_235 : i1 to vector<16xi1>
      %reduce_max3A_237 = arith.constant -2147483648 : i32
      %reduce_max3A_238 = vector.broadcast %reduce_max3A_237 : i32 to vector<16xi32>
      %reduce_max3A_239 = arith.xori %all_reduce_population_count3A_144, %reduce_max3A_238 : vector<16xi32>
      %reduce_max3A_240 = tpu.scan <max>, %reduce_max3A_239 masked %reduce_max3A_236 : vector<16xi32>, vector<16xi1> -> vector<16xi32>
      %reduce_max3A_241 = arith.xori %reduce_max3A_240, %reduce_max3A_238 : vector<16xi32>
      %reduce_max3A_242 = vector.extract %reduce_max3A_241[15] : i32 from vector<16xi32>
      %add3A_243 = arith.addi %add3A_213, %reduce_max3A_242 : i32
      %min3A_244 = arith.constant 4096 : i32
      %min3A_245 = arith.minsi %add3A_243, %min3A_244 : i32
      %swap3A_246 = arith.index_cast %min3A_245 : i32 to index
      %swap3A_247 = tpu.vector_load %arg7[%swap3A_246] masked %ge3A_153 {strides = array<i32>} : memref<4112xf32, #tpu.memory_space<vmem>>, vector<16xf32>, vector<16xi1>
      tpu.vector_store %arg7[%swap3A_246], %get3A_152 masked %ge3A_153 {strides = array<i32>} : memref<4112xf32, #tpu.memory_space<vmem>>, vector<16xf32>, vector<16xi1>
      %mul3A_248 = arith.constant 16 : i32
      %mul3A_249 = arith.muli %add3A_148, %mul3A_248 : i32
      %add3A_250 = vector.broadcast %mul3A_249 : i32 to vector<16xi32>
      %add3A_251 = arith.addi %iota3A, %add3A_250 : vector<16xi32>
      %ge3A_252 = arith.constant 20000 : i32
      %ge3A_253 = vector.broadcast %ge3A_252 : i32 to vector<16xi32>
      %ge3A_254 = arith.cmpi sge, %add3A_251, %ge3A_253 : vector<16xi32>
      %convert_element_type3A_255 = arith.extui %ge3A_254 : vector<16xi1> to vector<16xi32>
      %mul3A_256 = arith.constant 2 : i32
      %mul3A_257 = vector.broadcast %mul3A_256 : i32 to vector<16xi32>
      %mul3A_258 = arith.muli %mul3A_257, %add3A_251 : vector<16xi32>
      %mul3A_259 = arith.constant 39999 : i32
      %mul3A_260 = vector.broadcast %mul3A_259 : i32 to vector<16xi32>
      %mul3A_261 = arith.muli %mul3A_260, %convert_element_type3A_255 : vector<16xi32>
      %sub3A_262 = arith.subi %mul3A_258, %mul3A_261 : vector<16xi32>
      %swap3A_263 = arith.index_cast %min3A_245 : i32 to index
      %swap3A_264 = tpu.vector_load %arg8[%swap3A_263] masked %ge3A_153 {strides = array<i32>} : memref<4112xi32, #tpu.memory_space<vmem>>, vector<16xi32>, vector<16xi1>
      tpu.vector_store %arg8[%swap3A_263], %sub3A_262 masked %ge3A_153 {strides = array<i32>} : memref<4112xi32, #tpu.memory_space<vmem>>, vector<16xi32>, vector<16xi1>
      %reduce_max3A_265 = arith.constant true
      %reduce_max3A_266 = vector.broadcast %reduce_max3A_265 : i1 to vector<16xi1>
      %reduce_max3A_267 = arith.constant -2147483648 : i32
      %reduce_max3A_268 = vector.broadcast %reduce_max3A_267 : i32 to vector<16xi32>
      %reduce_max3A_269 = arith.xori %all_reduce_population_count3A_154, %reduce_max3A_268 : vector<16xi32>
      %reduce_max3A_270 = tpu.scan <max>, %reduce_max3A_269 masked %reduce_max3A_266 : vector<16xi32>, vector<16xi1> -> vector<16xi32>
      %reduce_max3A_271 = arith.xori %reduce_max3A_270, %reduce_max3A_268 : vector<16xi32>
      %reduce_max3A_272 = vector.extract %reduce_max3A_271[15] : i32 from vector<16xi32>
      %add3A_273 = arith.addi %add3A_243, %reduce_max3A_272 : i32
      scf.yield %add3A_273 : i32
    }
    %scan3A_21 = arith.constant 625 : i32
    %min3A = arith.constant 4096 : i32
    %min3A_22 = arith.minsi %scan3A_20, %min3A : i32
    %swap3A = arith.index_cast %min3A_22 : i32 to index
    %swap3A_23 = tpu.vector_load %arg7[%swap3A] {strides = array<i32>} : memref<4112xf32, #tpu.memory_space<vmem>>, vector<16xf32>,
    tpu.vector_store %arg7[%swap3A], %broadcast_in_dim3A_1 {strides = array<i32>} : memref<4112xf32, #tpu.memory_space<vmem>>, vector<16xf32>,
    %broadcast_in_dim3A_24 = arith.constant 2147483647 : i32
    %broadcast_in_dim3A_25 = vector.broadcast %broadcast_in_dim3A_24 : i32 to vector<16xi32>
    %swap3A_26 = arith.index_cast %min3A_22 : i32 to index
    %swap3A_27 = tpu.vector_load %arg8[%swap3A_26] {strides = array<i32>} : memref<4112xi32, #tpu.memory_space<vmem>>, vector<16xi32>,
    tpu.vector_store %arg8[%swap3A_26], %broadcast_in_dim3A_25 {strides = array<i32>} : memref<4112xi32, #tpu.memory_space<vmem>>, vector<16xi32>,
    %le3A = arith.constant 4096 : i32
    %le3A_28 = arith.cmpi sle, %scan3A_20, %le3A : i32
    %convert_element_type3A = arith.extui %le3A_28 : i1 to i32
    %cond3A = arith.constant 0 : i32
    %cond3A_29 = arith.constant 0 : i32
    %cond3A_30 = arith.cmpi ne, %convert_element_type3A, %cond3A_29 : i32
    %cond3A_31:8 = scf.if %cond3A_30 -> (vector<16xf32>, vector<16xf32>, vector<16xf32>, vector<16xf32>, vector<16xi32>, vector<16xi32>, vector<16xi32>, vector<16xi32>) {
      %min3A_116 = arith.constant 4096 : i32
      %min3A_117 = arith.minsi %scan3A_20, %min3A_116 : i32
      %add3A_118 = arith.constant 15 : i32
      %add3A_119 = arith.addi %min3A_117, %add3A_118 : i32
      %shift_right_arithmetic3A_120 = arith.constant 4 : i32
      %shift_right_arithmetic3A_121 = arith.shrsi %add3A_119, %shift_right_arithmetic3A_120 : i32
      %iota3A_122 = tpu.iota {dimensions = array<i32: 0>} : vector<16xi32>
      %broadcast_in_dim3A_123 = arith.constant 0.000000e+00 : f32
      %broadcast_in_dim3A_124 = vector.broadcast %broadcast_in_dim3A_123 : f32 to vector<16xf32>
      %broadcast_in_dim3A_125 = arith.constant 0 : i32
      %broadcast_in_dim3A_126 = vector.broadcast %broadcast_in_dim3A_125 : i32 to vector<16xi32>
      %scan3A_127 = arith.constant 0 : i32
      %scan3A_128 = arith.constant 60 : i32
      %scan3A_129 = arith.addi %scan3A_127, %scan3A_128 : i32
      %scan3A_130 = arith.constant 1 : i32
      %scan3A_131:8 = scf.for %scan3A_133 = %scan3A_127 to %scan3A_129 step %scan3A_130 iter_args(%scan3A_134 = %broadcast_in_dim3A_124, %scan3A_135 = %broadcast_in_dim3A_124, %scan3A_136 = %broadcast_in_dim3A_124, %scan3A_137 = %broadcast_in_dim3A_124, %scan3A_138 = %broadcast_in_dim3A_126, %scan3A_139 = %broadcast_in_dim3A_126, %scan3A_140 = %broadcast_in_dim3A_126, %scan3A_141 = %broadcast_in_dim3A_126) -> (vector<16xf32>, vector<16xf32>, vector<16xf32>, vector<16xf32>, vector<16xi32>, vector<16xi32>, vector<16xi32>, vector<16xi32>)  : i32 {
        %broadcast_in_dim3A_142 = arith.constant 0xFF800000 : f32
        %broadcast_in_dim3A_143 = vector.broadcast %broadcast_in_dim3A_142 : f32 to vector<16xf32>
        %while3A = arith.constant 0 : i32
        %while3A_144 = arith.subi %shift_right_arithmetic3A_121, %while3A : i32
        %while3A_145 = arith.addi %while3A, %while3A_144 : i32
        %while3A_146 = arith.constant 1 : i32
        %while3A_147 = arith.divsi %while3A_144, %while3A_146 : i32
        %while3A_148 = arith.muli %while3A_147, %while3A_146 : i32
        %while3A_149 = arith.addi %while3A, %while3A_148 : i32
        %while3A_150 = arith.constant 1 : i32
        %while3A_151 = scf.for %while3A_240 = %while3A to %while3A_149 step %while3A_150 iter_args(%while3A_241 = %broadcast_in_dim3A_143) -> (vector<16xf32>)  : i32 {
          %mul3A_242 = arith.constant 16 : i32
          %mul3A_243 = arith.muli %while3A_240, %mul3A_242 : i32
          %get3A = arith.index_cast %mul3A_243 : i32 to index
          %get3A_244 = tpu.vector_load %arg7[%get3A] {strides = array<i32>} : memref<4112xf32, #tpu.memory_space<vmem>>, vector<16xf32>,
          %max3A = arith.maximumf %while3A_241, %get3A_244 : vector<16xf32>
          scf.yield %max3A : vector<16xf32>
        }
        %while3A_152 = arith.constant 1 : i32
        %while3A_153 = scf.for %while3A_240 = %while3A_149 to %while3A_145 step %while3A_152 iter_args(%while3A_241 = %while3A_151) -> (vector<16xf32>)  : i32 {
          %mul3A_242 = arith.constant 16 : i32
          %mul3A_243 = arith.muli %while3A_240, %mul3A_242 : i32
          %get3A = arith.index_cast %mul3A_243 : i32 to index
          %get3A_244 = tpu.vector_load %arg7[%get3A] {strides = array<i32>} : memref<4112xf32, #tpu.memory_space<vmem>>, vector<16xf32>,
          %max3A = arith.maximumf %while3A_241, %get3A_244 : vector<16xf32>
          scf.yield %max3A : vector<16xf32>
        }
        %reduce_max3A_154 = arith.constant true
        %reduce_max3A_155 = vector.broadcast %reduce_max3A_154 : i1 to vector<16xi1>
        %reduce_max3A_156 = tpu.scan <max>, %while3A_153 masked %reduce_max3A_155 : vector<16xf32>, vector<16xi1> -> vector<16xf32>
        %reduce_max3A_157 = vector.extract %reduce_max3A_156[15] : f32 from vector<16xf32>
        %broadcast_in_dim3A_158 = arith.constant 2147483647 : i32
        %broadcast_in_dim3A_159 = vector.broadcast %broadcast_in_dim3A_158 : i32 to vector<16xi32>
        %while3A_160 = arith.constant 0 : i32
        %while3A_161 = arith.subi %shift_right_arithmetic3A_121, %while3A_160 : i32
        %while3A_162 = arith.addi %while3A_160, %while3A_161 : i32
        %while3A_163 = arith.constant 1 : i32
        %while3A_164 = arith.divsi %while3A_161, %while3A_163 : i32
        %while3A_165 = arith.muli %while3A_164, %while3A_163 : i32
        %while3A_166 = arith.addi %while3A_160, %while3A_165 : i32
        %while3A_167 = arith.constant 1 : i32
        %while3A_168 = scf.for %while3A_240 = %while3A_160 to %while3A_166 step %while3A_167 iter_args(%while3A_241 = %broadcast_in_dim3A_159) -> (vector<16xi32>)  : i32 {
          %mul3A_242 = arith.constant 16 : i32
          %mul3A_243 = arith.muli %while3A_240, %mul3A_242 : i32
          %get3A = arith.index_cast %mul3A_243 : i32 to index
          %get3A_244 = tpu.vector_load %arg7[%get3A] {strides = array<i32>} : memref<4112xf32, #tpu.memory_space<vmem>>, vector<16xf32>,
          %mul3A_245 = arith.constant 16 : i32
          %mul3A_246 = arith.muli %while3A_240, %mul3A_245 : i32
          %get3A_247 = arith.index_cast %mul3A_246 : i32 to index
          %get3A_248 = tpu.vector_load %arg8[%get3A_247] {strides = array<i32>} : memref<4112xi32, #tpu.memory_space<vmem>>, vector<16xi32>,
          %eq3A_249 = vector.broadcast %reduce_max3A_157 : f32 to vector<16xf32>
          %eq3A_250 = arith.cmpf oeq, %get3A_244, %eq3A_249 : vector<16xf32>
          %jit3A = arith.constant 2147483647 : i32
          %broadcast_in_dim3A_251 = vector.broadcast %jit3A : i32 to vector<16xi32>
          %select_n3A_252 = arith.select %eq3A_250, %get3A_248, %broadcast_in_dim3A_251 : vector<16xi1>, vector<16xi32>
          %min3A_253 = arith.minsi %while3A_241, %select_n3A_252 : vector<16xi32>
          scf.yield %min3A_253 : vector<16xi32>
        }
        %while3A_169 = arith.constant 1 : i32
        %while3A_170 = scf.for %while3A_240 = %while3A_166 to %while3A_162 step %while3A_169 iter_args(%while3A_241 = %while3A_168) -> (vector<16xi32>)  : i32 {
          %mul3A_242 = arith.constant 16 : i32
          %mul3A_243 = arith.muli %while3A_240, %mul3A_242 : i32
          %get3A = arith.index_cast %mul3A_243 : i32 to index
          %get3A_244 = tpu.vector_load %arg7[%get3A] {strides = array<i32>} : memref<4112xf32, #tpu.memory_space<vmem>>, vector<16xf32>,
          %mul3A_245 = arith.constant 16 : i32
          %mul3A_246 = arith.muli %while3A_240, %mul3A_245 : i32
          %get3A_247 = arith.index_cast %mul3A_246 : i32 to index
          %get3A_248 = tpu.vector_load %arg8[%get3A_247] {strides = array<i32>} : memref<4112xi32, #tpu.memory_space<vmem>>, vector<16xi32>,
          %eq3A_249 = vector.broadcast %reduce_max3A_157 : f32 to vector<16xf32>
          %eq3A_250 = arith.cmpf oeq, %get3A_244, %eq3A_249 : vector<16xf32>
          %jit3A = arith.constant 2147483647 : i32
          %broadcast_in_dim3A_251 = vector.broadcast %jit3A : i32 to vector<16xi32>
          %select_n3A_252 = arith.select %eq3A_250, %get3A_248, %broadcast_in_dim3A_251 : vector<16xi1>, vector<16xi32>
          %min3A_253 = arith.minsi %while3A_241, %select_n3A_252 : vector<16xi32>
          scf.yield %min3A_253 : vector<16xi32>
        }
        %neg3A_171 = arith.constant 0 : i32
        %neg3A_172 = vector.broadcast %neg3A_171 : i32 to vector<16xi32>
        %neg3A_173 = arith.subi %neg3A_172, %while3A_170 : vector<16xi32>
        %reduce_max3A_174 = arith.constant true
        %reduce_max3A_175 = vector.broadcast %reduce_max3A_174 : i1 to vector<16xi1>
        %reduce_max3A_176 = arith.constant -2147483648 : i32
        %reduce_max3A_177 = vector.broadcast %reduce_max3A_176 : i32 to vector<16xi32>
        %reduce_max3A_178 = arith.xori %neg3A_173, %reduce_max3A_177 : vector<16xi32>
        %reduce_max3A_179 = tpu.scan <max>, %reduce_max3A_178 masked %reduce_max3A_175 : vector<16xi32>, vector<16xi1> -> vector<16xi32>
        %reduce_max3A_180 = arith.xori %reduce_max3A_179, %reduce_max3A_177 : vector<16xi32>
        %reduce_max3A_181 = vector.extract %reduce_max3A_180[15] : i32 from vector<16xi32>
        %neg3A_182 = arith.constant 0 : i32
        %neg3A_183 = arith.subi %neg3A_182, %reduce_max3A_181 : i32
        %while3A_184 = arith.constant 0 : i32
        %while3A_185 = arith.constant 0 : i32
        %while3A_186 = arith.subi %shift_right_arithmetic3A_121, %while3A_185 : i32
        %while3A_187 = arith.addi %while3A_185, %while3A_186 : i32
        %while3A_188 = arith.constant 1 : i32
        %while3A_189 = arith.divsi %while3A_186, %while3A_188 : i32
        %while3A_190 = arith.muli %while3A_189, %while3A_188 : i32
        %while3A_191 = arith.addi %while3A_185, %while3A_190 : i32
        %while3A_192 = arith.constant 1 : i32
        scf.for %while3A_240 = %while3A_185 to %while3A_191 step %while3A_192  : i32 {
          %mul3A_241 = arith.constant 16 : i32
          %mul3A_242 = arith.muli %while3A_240, %mul3A_241 : i32
          %get3A = arith.index_cast %mul3A_242 : i32 to index
          %get3A_243 = tpu.vector_load %arg7[%get3A] {strides = array<i32>} : memref<4112xf32, #tpu.memory_space<vmem>>, vector<16xf32>,
          %mul3A_244 = arith.constant 16 : i32
          %mul3A_245 = arith.muli %while3A_240, %mul3A_244 : i32
          %get3A_246 = arith.index_cast %mul3A_245 : i32 to index
          %get3A_247 = tpu.vector_load %arg8[%get3A_246] {strides = array<i32>} : memref<4112xi32, #tpu.memory_space<vmem>>, vector<16xi32>,
          %eq3A_248 = vector.broadcast %neg3A_183 : i32 to vector<16xi32>
          %eq3A_249 = arith.cmpi eq, %get3A_247, %eq3A_248 : vector<16xi32>
          %jit3A = arith.constant 0xFF800000 : f32
          %broadcast_in_dim3A_250 = vector.broadcast %jit3A : f32 to vector<16xf32>
          %select_n3A_251 = arith.select %eq3A_249, %broadcast_in_dim3A_250, %get3A_243 : vector<16xi1>, vector<16xf32>
          %mul3A_252 = arith.constant 16 : i32
          %mul3A_253 = arith.muli %while3A_240, %mul3A_252 : i32
          %swap3A_254 = arith.index_cast %mul3A_253 : i32 to index
          %swap3A_255 = tpu.vector_load %arg7[%swap3A_254] {strides = array<i32>} : memref<4112xf32, #tpu.memory_space<vmem>>, vector<16xf32>,
          tpu.vector_store %arg7[%swap3A_254], %select_n3A_251 {strides = array<i32>} : memref<4112xf32, #tpu.memory_space<vmem>>, vector<16xf32>,
        }
        %while3A_193 = arith.constant 1 : i32
        scf.for %while3A_240 = %while3A_191 to %while3A_187 step %while3A_193  : i32 {
          %mul3A_241 = arith.constant 16 : i32
          %mul3A_242 = arith.muli %while3A_240, %mul3A_241 : i32
          %get3A = arith.index_cast %mul3A_242 : i32 to index
          %get3A_243 = tpu.vector_load %arg7[%get3A] {strides = array<i32>} : memref<4112xf32, #tpu.memory_space<vmem>>, vector<16xf32>,
          %mul3A_244 = arith.constant 16 : i32
          %mul3A_245 = arith.muli %while3A_240, %mul3A_244 : i32
          %get3A_246 = arith.index_cast %mul3A_245 : i32 to index
          %get3A_247 = tpu.vector_load %arg8[%get3A_246] {strides = array<i32>} : memref<4112xi32, #tpu.memory_space<vmem>>, vector<16xi32>,
          %eq3A_248 = vector.broadcast %neg3A_183 : i32 to vector<16xi32>
          %eq3A_249 = arith.cmpi eq, %get3A_247, %eq3A_248 : vector<16xi32>
          %jit3A = arith.constant 0xFF800000 : f32
          %broadcast_in_dim3A_250 = vector.broadcast %jit3A : f32 to vector<16xf32>
          %select_n3A_251 = arith.select %eq3A_249, %broadcast_in_dim3A_250, %get3A_243 : vector<16xi1>, vector<16xf32>
          %mul3A_252 = arith.constant 16 : i32
          %mul3A_253 = arith.muli %while3A_240, %mul3A_252 : i32
          %swap3A_254 = arith.index_cast %mul3A_253 : i32 to index
          %swap3A_255 = tpu.vector_load %arg7[%swap3A_254] {strides = array<i32>} : memref<4112xf32, #tpu.memory_space<vmem>>, vector<16xf32>,
          tpu.vector_store %arg7[%swap3A_254], %select_n3A_251 {strides = array<i32>} : memref<4112xf32, #tpu.memory_space<vmem>>, vector<16xf32>,
        }
        %and3A_194 = arith.constant 15 : i32
        %and3A_195 = arith.andi %scan3A_133, %and3A_194 : i32
        %eq3A = vector.broadcast %and3A_195 : i32 to vector<16xi32>
        %eq3A_196 = arith.cmpi eq, %iota3A_122, %eq3A : vector<16xi32>
        %shift_right_arithmetic3A_197 = arith.constant 4 : i32
        %shift_right_arithmetic3A_198 = arith.shrsi %scan3A_133, %shift_right_arithmetic3A_197 : i32
        %broadcast_in_dim3A_199 = vector.broadcast %reduce_max3A_157 : f32 to vector<16xf32>
        %broadcast_in_dim3A_200 = vector.broadcast %neg3A_183 : i32 to vector<16xi32>
        %eq3A_201 = arith.constant 0 : i32
        %eq3A_202 = arith.cmpi eq, %shift_right_arithmetic3A_198, %eq3A_201 : i32
        %and3A_203 = vector.broadcast %eq3A_202 : i1 to vector<16xi1>
        %and3A_204 = arith.andi %eq3A_196, %and3A_203 : vector<16xi1>
        %select_n3A = arith.select %and3A_204, %broadcast_in_dim3A_199, %scan3A_134 : vector<16xi1>, vector<16xf32>
        %eq3A_205 = arith.constant 1 : i32
        %eq3A_206 = arith.cmpi eq, %shift_right_arithmetic3A_198, %eq3A_205 : i32
        %and3A_207 = vector.broadcast %eq3A_206 : i1 to vector<16xi1>
        %and3A_208 = arith.andi %eq3A_196, %and3A_207 : vector<16xi1>
        %select_n3A_209 = arith.select %and3A_208, %broadcast_in_dim3A_199, %scan3A_135 : vector<16xi1>, vector<16xf32>
        %eq3A_210 = arith.constant 2 : i32
        %eq3A_211 = arith.cmpi eq, %shift_right_arithmetic3A_198, %eq3A_210 : i32
        %and3A_212 = vector.broadcast %eq3A_211 : i1 to vector<16xi1>
        %and3A_213 = arith.andi %eq3A_196, %and3A_212 : vector<16xi1>
        %select_n3A_214 = arith.select %and3A_213, %broadcast_in_dim3A_199, %scan3A_136 : vector<16xi1>, vector<16xf32>
        %eq3A_215 = arith.constant 3 : i32
        %eq3A_216 = arith.cmpi eq, %shift_right_arithmetic3A_198, %eq3A_215 : i32
        %and3A_217 = vector.broadcast %eq3A_216 : i1 to vector<16xi1>
        %and3A_218 = arith.andi %eq3A_196, %and3A_217 : vector<16xi1>
        %select_n3A_219 = arith.select %and3A_218, %broadcast_in_dim3A_199, %scan3A_137 : vector<16xi1>, vector<16xf32>
        %eq3A_220 = arith.constant 0 : i32
        %eq3A_221 = arith.cmpi eq, %shift_right_arithmetic3A_198, %eq3A_220 : i32
        %and3A_222 = vector.broadcast %eq3A_221 : i1 to vector<16xi1>
        %and3A_223 = arith.andi %eq3A_196, %and3A_222 : vector<16xi1>
        %select_n3A_224 = arith.select %and3A_223, %broadcast_in_dim3A_200, %scan3A_138 : vector<16xi1>, vector<16xi32>
        %eq3A_225 = arith.constant 1 : i32
        %eq3A_226 = arith.cmpi eq, %shift_right_arithmetic3A_198, %eq3A_225 : i32
        %and3A_227 = vector.broadcast %eq3A_226 : i1 to vector<16xi1>
        %and3A_228 = arith.andi %eq3A_196, %and3A_227 : vector<16xi1>
        %select_n3A_229 = arith.select %and3A_228, %broadcast_in_dim3A_200, %scan3A_139 : vector<16xi1>, vector<16xi32>
        %eq3A_230 = arith.constant 2 : i32
        %eq3A_231 = arith.cmpi eq, %shift_right_arithmetic3A_198, %eq3A_230 : i32
        %and3A_232 = vector.broadcast %eq3A_231 : i1 to vector<16xi1>
        %and3A_233 = arith.andi %eq3A_196, %and3A_232 : vector<16xi1>
        %select_n3A_234 = arith.select %and3A_233, %broadcast_in_dim3A_200, %scan3A_140 : vector<16xi1>, vector<16xi32>
        %eq3A_235 = arith.constant 3 : i32
        %eq3A_236 = arith.cmpi eq, %shift_right_arithmetic3A_198, %eq3A_235 : i32
        %and3A_237 = vector.broadcast %eq3A_236 : i1 to vector<16xi1>
        %and3A_238 = arith.andi %eq3A_196, %and3A_237 : vector<16xi1>
        %select_n3A_239 = arith.select %and3A_238, %broadcast_in_dim3A_200, %scan3A_141 : vector<16xi1>, vector<16xi32>
        scf.yield %select_n3A, %select_n3A_209, %select_n3A_214, %select_n3A_219, %select_n3A_224, %select_n3A_229, %select_n3A_234, %select_n3A_239 : vector<16xf32>, vector<16xf32>, vector<16xf32>, vector<16xf32>, vector<16xi32>, vector<16xi32>, vector<16xi32>, vector<16xi32>
      }
      %scan3A_132 = arith.constant 60 : i32
      scf.yield %scan3A_131#0, %scan3A_131#1, %scan3A_131#2, %scan3A_131#3, %scan3A_131#4, %scan3A_131#5, %scan3A_131#6, %scan3A_131#7 : vector<16xf32>, vector<16xf32>, vector<16xf32>, vector<16xf32>, vector<16xi32>, vector<16xi32>, vector<16xi32>, vector<16xi32>
    } else {
      %iota3A_116 = tpu.iota {dimensions = array<i32: 0>} : vector<16xi32>
      %broadcast_in_dim3A_117 = arith.constant 0.000000e+00 : f32
      %broadcast_in_dim3A_118 = vector.broadcast %broadcast_in_dim3A_117 : f32 to vector<16xf32>
      %broadcast_in_dim3A_119 = arith.constant 0 : i32
      %broadcast_in_dim3A_120 = vector.broadcast %broadcast_in_dim3A_119 : i32 to vector<16xi32>
      %scan3A_121 = arith.constant 0 : i32
      %scan3A_122 = arith.constant 60 : i32
      %scan3A_123 = arith.addi %scan3A_121, %scan3A_122 : i32
      %scan3A_124 = arith.constant 1 : i32
      %scan3A_125:8 = scf.for %scan3A_127 = %scan3A_121 to %scan3A_123 step %scan3A_124 iter_args(%scan3A_128 = %broadcast_in_dim3A_118, %scan3A_129 = %broadcast_in_dim3A_118, %scan3A_130 = %broadcast_in_dim3A_118, %scan3A_131 = %broadcast_in_dim3A_118, %scan3A_132 = %broadcast_in_dim3A_120, %scan3A_133 = %broadcast_in_dim3A_120, %scan3A_134 = %broadcast_in_dim3A_120, %scan3A_135 = %broadcast_in_dim3A_120) -> (vector<16xf32>, vector<16xf32>, vector<16xf32>, vector<16xf32>, vector<16xi32>, vector<16xi32>, vector<16xi32>, vector<16xi32>)  : i32 {
        %broadcast_in_dim3A_136 = arith.constant 0xFF800000 : f32
        %broadcast_in_dim3A_137 = vector.broadcast %broadcast_in_dim3A_136 : f32 to vector<16xf32>
        %scan3A_138 = arith.constant 0 : i32
        %scan3A_139 = arith.constant 2500 : i32
        %scan3A_140 = arith.addi %scan3A_138, %scan3A_139 : i32
        %scan3A_141 = arith.constant 1 : i32
        %scan3A_142 = scf.for %scan3A_221 = %scan3A_138 to %scan3A_140 step %scan3A_141 iter_args(%scan3A_222 = %broadcast_in_dim3A_137) -> (vector<16xf32>)  : i32 {
          %mul3A_223 = arith.constant 16 : i32
          %mul3A_224 = arith.muli %scan3A_221, %mul3A_223 : i32
          %get3A = arith.index_cast %mul3A_224 : i32 to index
          %get3A_225 = tpu.vector_load %arg6[%get3A] {strides = array<i32>} : memref<40000xf32, #tpu.memory_space<vmem>>, vector<16xf32>,
          %max3A = arith.maximumf %scan3A_222, %get3A_225 : vector<16xf32>
          scf.yield %max3A : vector<16xf32>
        }
        %scan3A_143 = arith.constant 2500 : i32
        %reduce_max3A_144 = arith.constant true
        %reduce_max3A_145 = vector.broadcast %reduce_max3A_144 : i1 to vector<16xi1>
        %reduce_max3A_146 = tpu.scan <max>, %scan3A_142 masked %reduce_max3A_145 : vector<16xf32>, vector<16xi1> -> vector<16xf32>
        %reduce_max3A_147 = vector.extract %reduce_max3A_146[15] : f32 from vector<16xf32>
        %broadcast_in_dim3A_148 = arith.constant 2147483647 : i32
        %broadcast_in_dim3A_149 = vector.broadcast %broadcast_in_dim3A_148 : i32 to vector<16xi32>
        %scan3A_150 = arith.constant 0 : i32
        %scan3A_151 = arith.constant 2500 : i32
        %scan3A_152 = arith.addi %scan3A_150, %scan3A_151 : i32
        %scan3A_153 = arith.constant 1 : i32
        %scan3A_154 = scf.for %scan3A_221 = %scan3A_150 to %scan3A_152 step %scan3A_153 iter_args(%scan3A_222 = %broadcast_in_dim3A_149) -> (vector<16xi32>)  : i32 {
          %mul3A_223 = arith.constant 16 : i32
          %mul3A_224 = arith.muli %scan3A_221, %mul3A_223 : i32
          %get3A = arith.index_cast %mul3A_224 : i32 to index
          %get3A_225 = tpu.vector_load %arg6[%get3A] {strides = array<i32>} : memref<40000xf32, #tpu.memory_space<vmem>>, vector<16xf32>,
          %mul3A_226 = arith.constant 16 : i32
          %mul3A_227 = arith.muli %scan3A_221, %mul3A_226 : i32
          %add3A_228 = vector.broadcast %mul3A_227 : i32 to vector<16xi32>
          %add3A_229 = arith.addi %iota3A, %add3A_228 : vector<16xi32>
          %ge3A = arith.constant 20000 : i32
          %ge3A_230 = vector.broadcast %ge3A : i32 to vector<16xi32>
          %ge3A_231 = arith.cmpi sge, %add3A_229, %ge3A_230 : vector<16xi32>
          %convert_element_type3A_232 = arith.extui %ge3A_231 : vector<16xi1> to vector<16xi32>
          %mul3A_233 = arith.constant 2 : i32
          %mul3A_234 = vector.broadcast %mul3A_233 : i32 to vector<16xi32>
          %mul3A_235 = arith.muli %mul3A_234, %add3A_229 : vector<16xi32>
          %mul3A_236 = arith.constant 39999 : i32
          %mul3A_237 = vector.broadcast %mul3A_236 : i32 to vector<16xi32>
          %mul3A_238 = arith.muli %mul3A_237, %convert_element_type3A_232 : vector<16xi32>
          %sub3A = arith.subi %mul3A_235, %mul3A_238 : vector<16xi32>
          %eq3A_239 = vector.broadcast %reduce_max3A_147 : f32 to vector<16xf32>
          %eq3A_240 = arith.cmpf oeq, %get3A_225, %eq3A_239 : vector<16xf32>
          %jit3A = arith.constant 2147483647 : i32
          %broadcast_in_dim3A_241 = vector.broadcast %jit3A : i32 to vector<16xi32>
          %select_n3A_242 = arith.select %eq3A_240, %sub3A, %broadcast_in_dim3A_241 : vector<16xi1>, vector<16xi32>
          %min3A_243 = arith.minsi %scan3A_222, %select_n3A_242 : vector<16xi32>
          scf.yield %min3A_243 : vector<16xi32>
        }
        %scan3A_155 = arith.constant 2500 : i32
        %neg3A_156 = arith.constant 0 : i32
        %neg3A_157 = vector.broadcast %neg3A_156 : i32 to vector<16xi32>
        %neg3A_158 = arith.subi %neg3A_157, %scan3A_154 : vector<16xi32>
        %reduce_max3A_159 = arith.constant true
        %reduce_max3A_160 = vector.broadcast %reduce_max3A_159 : i1 to vector<16xi1>
        %reduce_max3A_161 = arith.constant -2147483648 : i32
        %reduce_max3A_162 = vector.broadcast %reduce_max3A_161 : i32 to vector<16xi32>
        %reduce_max3A_163 = arith.xori %neg3A_158, %reduce_max3A_162 : vector<16xi32>
        %reduce_max3A_164 = tpu.scan <max>, %reduce_max3A_163 masked %reduce_max3A_160 : vector<16xi32>, vector<16xi1> -> vector<16xi32>
        %reduce_max3A_165 = arith.xori %reduce_max3A_164, %reduce_max3A_162 : vector<16xi32>
        %reduce_max3A_166 = vector.extract %reduce_max3A_165[15] : i32 from vector<16xi32>
        %neg3A_167 = arith.constant 0 : i32
        %neg3A_168 = arith.subi %neg3A_167, %reduce_max3A_166 : i32
        %scan3A_169 = arith.constant 0 : i32
        %scan3A_170 = arith.constant 0 : i32
        %scan3A_171 = arith.constant 2500 : i32
        %scan3A_172 = arith.addi %scan3A_170, %scan3A_171 : i32
        %scan3A_173 = arith.constant 1 : i32
        scf.for %scan3A_221 = %scan3A_170 to %scan3A_172 step %scan3A_173  : i32 {
          %mul3A_222 = arith.constant 16 : i32
          %mul3A_223 = arith.muli %scan3A_221, %mul3A_222 : i32
          %get3A = arith.index_cast %mul3A_223 : i32 to index
          %get3A_224 = tpu.vector_load %arg6[%get3A] {strides = array<i32>} : memref<40000xf32, #tpu.memory_space<vmem>>, vector<16xf32>,
          %mul3A_225 = arith.constant 16 : i32
          %mul3A_226 = arith.muli %scan3A_221, %mul3A_225 : i32
          %add3A_227 = vector.broadcast %mul3A_226 : i32 to vector<16xi32>
          %add3A_228 = arith.addi %iota3A, %add3A_227 : vector<16xi32>
          %ge3A = arith.constant 20000 : i32
          %ge3A_229 = vector.broadcast %ge3A : i32 to vector<16xi32>
          %ge3A_230 = arith.cmpi sge, %add3A_228, %ge3A_229 : vector<16xi32>
          %convert_element_type3A_231 = arith.extui %ge3A_230 : vector<16xi1> to vector<16xi32>
          %mul3A_232 = arith.constant 2 : i32
          %mul3A_233 = vector.broadcast %mul3A_232 : i32 to vector<16xi32>
          %mul3A_234 = arith.muli %mul3A_233, %add3A_228 : vector<16xi32>
          %mul3A_235 = arith.constant 39999 : i32
          %mul3A_236 = vector.broadcast %mul3A_235 : i32 to vector<16xi32>
          %mul3A_237 = arith.muli %mul3A_236, %convert_element_type3A_231 : vector<16xi32>
          %sub3A = arith.subi %mul3A_234, %mul3A_237 : vector<16xi32>
          %eq3A_238 = vector.broadcast %neg3A_168 : i32 to vector<16xi32>
          %eq3A_239 = arith.cmpi eq, %sub3A, %eq3A_238 : vector<16xi32>
          %jit3A = arith.constant 0xFF800000 : f32
          %broadcast_in_dim3A_240 = vector.broadcast %jit3A : f32 to vector<16xf32>
          %select_n3A_241 = arith.select %eq3A_239, %broadcast_in_dim3A_240, %get3A_224 : vector<16xi1>, vector<16xf32>
          %mul3A_242 = arith.constant 16 : i32
          %mul3A_243 = arith.muli %scan3A_221, %mul3A_242 : i32
          %swap3A_244 = arith.index_cast %mul3A_243 : i32 to index
          %swap3A_245 = tpu.vector_load %arg6[%swap3A_244] {strides = array<i32>} : memref<40000xf32, #tpu.memory_space<vmem>>, vector<16xf32>,
          tpu.vector_store %arg6[%swap3A_244], %select_n3A_241 {strides = array<i32>} : memref<40000xf32, #tpu.memory_space<vmem>>, vector<16xf32>,
        }
        %scan3A_174 = arith.constant 2500 : i32
        %and3A_175 = arith.constant 15 : i32
        %and3A_176 = arith.andi %scan3A_127, %and3A_175 : i32
        %eq3A = vector.broadcast %and3A_176 : i32 to vector<16xi32>
        %eq3A_177 = arith.cmpi eq, %iota3A_116, %eq3A : vector<16xi32>
        %shift_right_arithmetic3A_178 = arith.constant 4 : i32
        %shift_right_arithmetic3A_179 = arith.shrsi %scan3A_127, %shift_right_arithmetic3A_178 : i32
        %broadcast_in_dim3A_180 = vector.broadcast %reduce_max3A_147 : f32 to vector<16xf32>
        %broadcast_in_dim3A_181 = vector.broadcast %neg3A_168 : i32 to vector<16xi32>
        %eq3A_182 = arith.constant 0 : i32
        %eq3A_183 = arith.cmpi eq, %shift_right_arithmetic3A_179, %eq3A_182 : i32
        %and3A_184 = vector.broadcast %eq3A_183 : i1 to vector<16xi1>
        %and3A_185 = arith.andi %eq3A_177, %and3A_184 : vector<16xi1>
        %select_n3A = arith.select %and3A_185, %broadcast_in_dim3A_180, %scan3A_128 : vector<16xi1>, vector<16xf32>
        %eq3A_186 = arith.constant 1 : i32
        %eq3A_187 = arith.cmpi eq, %shift_right_arithmetic3A_179, %eq3A_186 : i32
        %and3A_188 = vector.broadcast %eq3A_187 : i1 to vector<16xi1>
        %and3A_189 = arith.andi %eq3A_177, %and3A_188 : vector<16xi1>
        %select_n3A_190 = arith.select %and3A_189, %broadcast_in_dim3A_180, %scan3A_129 : vector<16xi1>, vector<16xf32>
        %eq3A_191 = arith.constant 2 : i32
        %eq3A_192 = arith.cmpi eq, %shift_right_arithmetic3A_179, %eq3A_191 : i32
        %and3A_193 = vector.broadcast %eq3A_192 : i1 to vector<16xi1>
        %and3A_194 = arith.andi %eq3A_177, %and3A_193 : vector<16xi1>
        %select_n3A_195 = arith.select %and3A_194, %broadcast_in_dim3A_180, %scan3A_130 : vector<16xi1>, vector<16xf32>
        %eq3A_196 = arith.constant 3 : i32
        %eq3A_197 = arith.cmpi eq, %shift_right_arithmetic3A_179, %eq3A_196 : i32
        %and3A_198 = vector.broadcast %eq3A_197 : i1 to vector<16xi1>
        %and3A_199 = arith.andi %eq3A_177, %and3A_198 : vector<16xi1>
        %select_n3A_200 = arith.select %and3A_199, %broadcast_in_dim3A_180, %scan3A_131 : vector<16xi1>, vector<16xf32>
        %eq3A_201 = arith.constant 0 : i32
        %eq3A_202 = arith.cmpi eq, %shift_right_arithmetic3A_179, %eq3A_201 : i32
        %and3A_203 = vector.broadcast %eq3A_202 : i1 to vector<16xi1>
        %and3A_204 = arith.andi %eq3A_177, %and3A_203 : vector<16xi1>
        %select_n3A_205 = arith.select %and3A_204, %broadcast_in_dim3A_181, %scan3A_132 : vector<16xi1>, vector<16xi32>
        %eq3A_206 = arith.constant 1 : i32
        %eq3A_207 = arith.cmpi eq, %shift_right_arithmetic3A_179, %eq3A_206 : i32
        %and3A_208 = vector.broadcast %eq3A_207 : i1 to vector<16xi1>
        %and3A_209 = arith.andi %eq3A_177, %and3A_208 : vector<16xi1>
        %select_n3A_210 = arith.select %and3A_209, %broadcast_in_dim3A_181, %scan3A_133 : vector<16xi1>, vector<16xi32>
        %eq3A_211 = arith.constant 2 : i32
        %eq3A_212 = arith.cmpi eq, %shift_right_arithmetic3A_179, %eq3A_211 : i32
        %and3A_213 = vector.broadcast %eq3A_212 : i1 to vector<16xi1>
        %and3A_214 = arith.andi %eq3A_177, %and3A_213 : vector<16xi1>
        %select_n3A_215 = arith.select %and3A_214, %broadcast_in_dim3A_181, %scan3A_134 : vector<16xi1>, vector<16xi32>
        %eq3A_216 = arith.constant 3 : i32
        %eq3A_217 = arith.cmpi eq, %shift_right_arithmetic3A_179, %eq3A_216 : i32
        %and3A_218 = vector.broadcast %eq3A_217 : i1 to vector<16xi1>
        %and3A_219 = arith.andi %eq3A_177, %and3A_218 : vector<16xi1>
        %select_n3A_220 = arith.select %and3A_219, %broadcast_in_dim3A_181, %scan3A_135 : vector<16xi1>, vector<16xi32>
        scf.yield %select_n3A, %select_n3A_190, %select_n3A_195, %select_n3A_200, %select_n3A_205, %select_n3A_210, %select_n3A_215, %select_n3A_220 : vector<16xf32>, vector<16xf32>, vector<16xf32>, vector<16xf32>, vector<16xi32>, vector<16xi32>, vector<16xi32>, vector<16xi32>
      }
      %scan3A_126 = arith.constant 60 : i32
      scf.yield %scan3A_125#0, %scan3A_125#1, %scan3A_125#2, %scan3A_125#3, %scan3A_125#4, %scan3A_125#5, %scan3A_125#6, %scan3A_125#7 : vector<16xf32>, vector<16xf32>, vector<16xf32>, vector<16xf32>, vector<16xi32>, vector<16xi32>, vector<16xi32>, vector<16xi32>
    }
    %neg3A_32 = arith.constant 0.000000e+00 : f32
    %neg3A_33 = vector.broadcast %neg3A_32 : f32 to vector<16xf32>
    %neg3A_34 = arith.subf %neg3A_33, %cond3A_31#0 : vector<16xf32>
    %exp3A = math.exp %neg3A_34 : vector<16xf32>
    %add3A_35 = arith.constant 1.000000e+00 : f32
    %add3A_36 = vector.broadcast %add3A_35 : f32 to vector<16xf32>
    %add3A_37 = arith.addf %add3A_36, %exp3A : vector<16xf32>
    %div3A = arith.constant 1.000000e+00 : f32
    %div3A_38 = vector.broadcast %div3A : f32 to vector<16xf32>
    %div3A_39 = arith.divf %div3A_38, %add3A_37 : vector<16xf32>
    %swap3A_40 = arith.constant 0 : index
    %swap3A_41 = tpu.vector_load %arg9[%swap3A_40] {strides = array<i32>} : memref<64xf32, #tpu.memory_space<vmem>>, vector<16xf32>,
    tpu.vector_store %arg9[%swap3A_40], %div3A_39 {strides = array<i32>} : memref<64xf32, #tpu.memory_space<vmem>>, vector<16xf32>,
    %and3A = arith.constant 1 : i32
    %and3A_42 = vector.broadcast %and3A : i32 to vector<16xi32>
    %and3A_43 = arith.andi %cond3A_31#4, %and3A_42 : vector<16xi32>
    %swap3A_44 = arith.constant 0 : index
    %swap3A_45 = tpu.vector_load %arg10[%swap3A_44] {strides = array<i32>} : memref<64xi32, #tpu.memory_space<vmem>>, vector<16xi32>,
    tpu.vector_store %arg10[%swap3A_44], %and3A_43 {strides = array<i32>} : memref<64xi32, #tpu.memory_space<vmem>>, vector<16xi32>,
    %shift_right_arithmetic3A = arith.constant 1 : i32
    %shift_right_arithmetic3A_46 = vector.broadcast %shift_right_arithmetic3A : i32 to vector<16xi32>
    %shift_right_arithmetic3A_47 = arith.shrsi %cond3A_31#4, %shift_right_arithmetic3A_46 : vector<16xi32>
    %swap3A_48 = arith.constant 0 : index
    %swap3A_49 = tpu.vector_load %arg11[%swap3A_48] {strides = array<i32>} : memref<64xi32, #tpu.memory_space<vmem>>, vector<16xi32>,
    tpu.vector_store %arg11[%swap3A_48], %shift_right_arithmetic3A_47 {strides = array<i32>} : memref<64xi32, #tpu.memory_space<vmem>>, vector<16xi32>,
    %neg3A_50 = arith.constant 0.000000e+00 : f32
    %neg3A_51 = vector.broadcast %neg3A_50 : f32 to vector<16xf32>
    %neg3A_52 = arith.subf %neg3A_51, %cond3A_31#1 : vector<16xf32>
    %exp3A_53 = math.exp %neg3A_52 : vector<16xf32>
    %add3A_54 = arith.constant 1.000000e+00 : f32
    %add3A_55 = vector.broadcast %add3A_54 : f32 to vector<16xf32>
    %add3A_56 = arith.addf %add3A_55, %exp3A_53 : vector<16xf32>
    %div3A_57 = arith.constant 1.000000e+00 : f32
    %div3A_58 = vector.broadcast %div3A_57 : f32 to vector<16xf32>
    %div3A_59 = arith.divf %div3A_58, %add3A_56 : vector<16xf32>
    %swap3A_60 = arith.constant 16 : index
    %swap3A_61 = tpu.vector_load %arg9[%swap3A_60] {strides = array<i32>} : memref<64xf32, #tpu.memory_space<vmem>>, vector<16xf32>,
    tpu.vector_store %arg9[%swap3A_60], %div3A_59 {strides = array<i32>} : memref<64xf32, #tpu.memory_space<vmem>>, vector<16xf32>,
    %and3A_62 = arith.constant 1 : i32
    %and3A_63 = vector.broadcast %and3A_62 : i32 to vector<16xi32>
    %and3A_64 = arith.andi %cond3A_31#5, %and3A_63 : vector<16xi32>
    %swap3A_65 = arith.constant 16 : index
    %swap3A_66 = tpu.vector_load %arg10[%swap3A_65] {strides = array<i32>} : memref<64xi32, #tpu.memory_space<vmem>>, vector<16xi32>,
    tpu.vector_store %arg10[%swap3A_65], %and3A_64 {strides = array<i32>} : memref<64xi32, #tpu.memory_space<vmem>>, vector<16xi32>,
    %shift_right_arithmetic3A_67 = arith.constant 1 : i32
    %shift_right_arithmetic3A_68 = vector.broadcast %shift_right_arithmetic3A_67 : i32 to vector<16xi32>
    %shift_right_arithmetic3A_69 = arith.shrsi %cond3A_31#5, %shift_right_arithmetic3A_68 : vector<16xi32>
    %swap3A_70 = arith.constant 16 : index
    %swap3A_71 = tpu.vector_load %arg11[%swap3A_70] {strides = array<i32>} : memref<64xi32, #tpu.memory_space<vmem>>, vector<16xi32>,
    tpu.vector_store %arg11[%swap3A_70], %shift_right_arithmetic3A_69 {strides = array<i32>} : memref<64xi32, #tpu.memory_space<vmem>>, vector<16xi32>,
    %neg3A_72 = arith.constant 0.000000e+00 : f32
    %neg3A_73 = vector.broadcast %neg3A_72 : f32 to vector<16xf32>
    %neg3A_74 = arith.subf %neg3A_73, %cond3A_31#2 : vector<16xf32>
    %exp3A_75 = math.exp %neg3A_74 : vector<16xf32>
    %add3A_76 = arith.constant 1.000000e+00 : f32
    %add3A_77 = vector.broadcast %add3A_76 : f32 to vector<16xf32>
    %add3A_78 = arith.addf %add3A_77, %exp3A_75 : vector<16xf32>
    %div3A_79 = arith.constant 1.000000e+00 : f32
    %div3A_80 = vector.broadcast %div3A_79 : f32 to vector<16xf32>
    %div3A_81 = arith.divf %div3A_80, %add3A_78 : vector<16xf32>
    %swap3A_82 = arith.constant 32 : index
    %swap3A_83 = tpu.vector_load %arg9[%swap3A_82] {strides = array<i32>} : memref<64xf32, #tpu.memory_space<vmem>>, vector<16xf32>,
    tpu.vector_store %arg9[%swap3A_82], %div3A_81 {strides = array<i32>} : memref<64xf32, #tpu.memory_space<vmem>>, vector<16xf32>,
    %and3A_84 = arith.constant 1 : i32
    %and3A_85 = vector.broadcast %and3A_84 : i32 to vector<16xi32>
    %and3A_86 = arith.andi %cond3A_31#6, %and3A_85 : vector<16xi32>
    %swap3A_87 = arith.constant 32 : index
    %swap3A_88 = tpu.vector_load %arg10[%swap3A_87] {strides = array<i32>} : memref<64xi32, #tpu.memory_space<vmem>>, vector<16xi32>,
    tpu.vector_store %arg10[%swap3A_87], %and3A_86 {strides = array<i32>} : memref<64xi32, #tpu.memory_space<vmem>>, vector<16xi32>,
    %shift_right_arithmetic3A_89 = arith.constant 1 : i32
    %shift_right_arithmetic3A_90 = vector.broadcast %shift_right_arithmetic3A_89 : i32 to vector<16xi32>
    %shift_right_arithmetic3A_91 = arith.shrsi %cond3A_31#6, %shift_right_arithmetic3A_90 : vector<16xi32>
    %swap3A_92 = arith.constant 32 : index
    %swap3A_93 = tpu.vector_load %arg11[%swap3A_92] {strides = array<i32>} : memref<64xi32, #tpu.memory_space<vmem>>, vector<16xi32>,
    tpu.vector_store %arg11[%swap3A_92], %shift_right_arithmetic3A_91 {strides = array<i32>} : memref<64xi32, #tpu.memory_space<vmem>>, vector<16xi32>,
    %neg3A_94 = arith.constant 0.000000e+00 : f32
    %neg3A_95 = vector.broadcast %neg3A_94 : f32 to vector<16xf32>
    %neg3A_96 = arith.subf %neg3A_95, %cond3A_31#3 : vector<16xf32>
    %exp3A_97 = math.exp %neg3A_96 : vector<16xf32>
    %add3A_98 = arith.constant 1.000000e+00 : f32
    %add3A_99 = vector.broadcast %add3A_98 : f32 to vector<16xf32>
    %add3A_100 = arith.addf %add3A_99, %exp3A_97 : vector<16xf32>
    %div3A_101 = arith.constant 1.000000e+00 : f32
    %div3A_102 = vector.broadcast %div3A_101 : f32 to vector<16xf32>
    %div3A_103 = arith.divf %div3A_102, %add3A_100 : vector<16xf32>
    %swap3A_104 = arith.constant 48 : index
    %swap3A_105 = tpu.vector_load %arg9[%swap3A_104] {strides = array<i32>} : memref<64xf32, #tpu.memory_space<vmem>>, vector<16xf32>,
    tpu.vector_store %arg9[%swap3A_104], %div3A_103 {strides = array<i32>} : memref<64xf32, #tpu.memory_space<vmem>>, vector<16xf32>,
    %and3A_106 = arith.constant 1 : i32
    %and3A_107 = vector.broadcast %and3A_106 : i32 to vector<16xi32>
    %and3A_108 = arith.andi %cond3A_31#7, %and3A_107 : vector<16xi32>
    %swap3A_109 = arith.constant 48 : index
    %swap3A_110 = tpu.vector_load %arg10[%swap3A_109] {strides = array<i32>} : memref<64xi32, #tpu.memory_space<vmem>>, vector<16xi32>,
    tpu.vector_store %arg10[%swap3A_109], %and3A_108 {strides = array<i32>} : memref<64xi32, #tpu.memory_space<vmem>>, vector<16xi32>,
    %shift_right_arithmetic3A_111 = arith.constant 1 : i32
    %shift_right_arithmetic3A_112 = vector.broadcast %shift_right_arithmetic3A_111 : i32 to vector<16xi32>
    %shift_right_arithmetic3A_113 = arith.shrsi %cond3A_31#7, %shift_right_arithmetic3A_112 : vector<16xi32>
    %swap3A_114 = arith.constant 48 : index
    %swap3A_115 = tpu.vector_load %arg11[%swap3A_114] {strides = array<i32>} : memref<64xi32, #tpu.memory_space<vmem>>, vector<16xi32>,
    tpu.vector_store %arg11[%swap3A_114], %shift_right_arithmetic3A_113 {strides = array<i32>} : memref<64xi32, #tpu.memory_space<vmem>>, vector<16xi32>,
    "tpu.region"() ({
      %run_scoped3A = tpu.sem_alloc : memref<!tpu.dma_semaphore, #tpu.memory_space<semaphore_mem>>
      %dma_start3A = arith.constant 0 : i32
      %dma_start3A_116 = tpu.memref_slice %arg3[%add3A, %dma_start3A] : memref<32x64xf32, #tpu.memory_space<hbm>> -> memref<1x64xf32, #tpu.memory_space<hbm>>
      %dma_start3A_117 = tpu.memref_squeeze %dma_start3A_116 : memref<1x64xf32, #tpu.memory_space<hbm>> -> memref<64xf32, #tpu.memory_space<hbm>>
      %dma_start3A_118 = arith.constant 0 : i32
      %dma_start3A_119 = tpu.memref_slice %arg3[%add3A, %dma_start3A_118] : memref<32x64xf32, #tpu.memory_space<hbm>> -> memref<1x64xf32, #tpu.memory_space<hbm>>
      %dma_start3A_120 = tpu.memref_squeeze %dma_start3A_119 : memref<1x64xf32, #tpu.memory_space<hbm>> -> memref<64xf32, #tpu.memory_space<hbm>>
      tpu.enqueue_dma source(%arg9 : memref<64xf32, #tpu.memory_space<vmem>>) target(%dma_start3A_120 : memref<64xf32, #tpu.memory_space<hbm>>) target_semaphore(%run_scoped3A : memref<!tpu.dma_semaphore, #tpu.memory_space<semaphore_mem>>)
      %dma_wait3A = arith.constant 0 : i32
      %dma_wait3A_121 = tpu.memref_slice %arg3[%add3A, %dma_wait3A] : memref<32x64xf32, #tpu.memory_space<hbm>> -> memref<1x64xf32, #tpu.memory_space<hbm>>
      %dma_wait3A_122 = tpu.memref_squeeze %dma_wait3A_121 : memref<1x64xf32, #tpu.memory_space<hbm>> -> memref<64xf32, #tpu.memory_space<hbm>>
      %dma_wait3A_123 = arith.constant 0 : i32
      %dma_wait3A_124 = tpu.memref_slice %arg3[%add3A, %dma_wait3A_123] : memref<32x64xf32, #tpu.memory_space<hbm>> -> memref<1x64xf32, #tpu.memory_space<hbm>>
      %dma_wait3A_125 = tpu.memref_squeeze %dma_wait3A_124 : memref<1x64xf32, #tpu.memory_space<hbm>> -> memref<64xf32, #tpu.memory_space<hbm>>
      tpu.wait_dma2 semaphore(%run_scoped3A : memref<!tpu.dma_semaphore, #tpu.memory_space<semaphore_mem>>) src(%arg9 : memref<64xf32, #tpu.memory_space<vmem>>) dst(%dma_wait3A_125 : memref<64xf32, #tpu.memory_space<hbm>>)
      tpu.yield
    }) : () -> ()
    "tpu.region"() ({
      %run_scoped3A = tpu.sem_alloc : memref<!tpu.dma_semaphore, #tpu.memory_space<semaphore_mem>>
      %dma_start3A = arith.constant 0 : i32
      %dma_start3A_116 = tpu.memref_slice %arg4[%add3A, %dma_start3A] : memref<32x64xi32, #tpu.memory_space<hbm>> -> memref<1x64xi32, #tpu.memory_space<hbm>>
      %dma_start3A_117 = tpu.memref_squeeze %dma_start3A_116 : memref<1x64xi32, #tpu.memory_space<hbm>> -> memref<64xi32, #tpu.memory_space<hbm>>
      %dma_start3A_118 = arith.constant 0 : i32
      %dma_start3A_119 = tpu.memref_slice %arg4[%add3A, %dma_start3A_118] : memref<32x64xi32, #tpu.memory_space<hbm>> -> memref<1x64xi32, #tpu.memory_space<hbm>>
      %dma_start3A_120 = tpu.memref_squeeze %dma_start3A_119 : memref<1x64xi32, #tpu.memory_space<hbm>> -> memref<64xi32, #tpu.memory_space<hbm>>
      tpu.enqueue_dma source(%arg10 : memref<64xi32, #tpu.memory_space<vmem>>) target(%dma_start3A_120 : memref<64xi32, #tpu.memory_space<hbm>>) target_semaphore(%run_scoped3A : memref<!tpu.dma_semaphore, #tpu.memory_space<semaphore_mem>>)
      %dma_wait3A = arith.constant 0 : i32
      %dma_wait3A_121 = tpu.memref_slice %arg4[%add3A, %dma_wait3A] : memref<32x64xi32, #tpu.memory_space<hbm>> -> memref<1x64xi32, #tpu.memory_space<hbm>>
      %dma_wait3A_122 = tpu.memref_squeeze %dma_wait3A_121 : memref<1x64xi32, #tpu.memory_space<hbm>> -> memref<64xi32, #tpu.memory_space<hbm>>
      %dma_wait3A_123 = arith.constant 0 : i32
      %dma_wait3A_124 = tpu.memref_slice %arg4[%add3A, %dma_wait3A_123] : memref<32x64xi32, #tpu.memory_space<hbm>> -> memref<1x64xi32, #tpu.memory_space<hbm>>
      %dma_wait3A_125 = tpu.memref_squeeze %dma_wait3A_124 : memref<1x64xi32, #tpu.memory_space<hbm>> -> memref<64xi32, #tpu.memory_space<hbm>>
      tpu.wait_dma2 semaphore(%run_scoped3A : memref<!tpu.dma_semaphore, #tpu.memory_space<semaphore_mem>>) src(%arg10 : memref<64xi32, #tpu.memory_space<vmem>>) dst(%dma_wait3A_125 : memref<64xi32, #tpu.memory_space<hbm>>)
      tpu.yield
    }) : () -> ()
    "tpu.region"() ({
      %run_scoped3A = tpu.sem_alloc : memref<!tpu.dma_semaphore, #tpu.memory_space<semaphore_mem>>
      %dma_start3A = arith.constant 0 : i32
      %dma_start3A_116 = tpu.memref_slice %arg5[%add3A, %dma_start3A] : memref<32x64xi32, #tpu.memory_space<hbm>> -> memref<1x64xi32, #tpu.memory_space<hbm>>
      %dma_start3A_117 = tpu.memref_squeeze %dma_start3A_116 : memref<1x64xi32, #tpu.memory_space<hbm>> -> memref<64xi32, #tpu.memory_space<hbm>>
      %dma_start3A_118 = arith.constant 0 : i32
      %dma_start3A_119 = tpu.memref_slice %arg5[%add3A, %dma_start3A_118] : memref<32x64xi32, #tpu.memory_space<hbm>> -> memref<1x64xi32, #tpu.memory_space<hbm>>
      %dma_start3A_120 = tpu.memref_squeeze %dma_start3A_119 : memref<1x64xi32, #tpu.memory_space<hbm>> -> memref<64xi32, #tpu.memory_space<hbm>>
      tpu.enqueue_dma source(%arg11 : memref<64xi32, #tpu.memory_space<vmem>>) target(%dma_start3A_120 : memref<64xi32, #tpu.memory_space<hbm>>) target_semaphore(%run_scoped3A : memref<!tpu.dma_semaphore, #tpu.memory_space<semaphore_mem>>)
      %dma_wait3A = arith.constant 0 : i32
      %dma_wait3A_121 = tpu.memref_slice %arg5[%add3A, %dma_wait3A] : memref<32x64xi32, #tpu.memory_space<hbm>> -> memref<1x64xi32, #tpu.memory_space<hbm>>
      %dma_wait3A_122 = tpu.memref_squeeze %dma_wait3A_121 : memref<1x64xi32, #tpu.memory_space<hbm>> -> memref<64xi32, #tpu.memory_space<hbm>>
      %dma_wait3A_123 = arith.constant 0 : i32
      %dma_wait3A_124 = tpu.memref_slice %arg5[%add3A, %dma_wait3A_123] : memref<32x64xi32, #tpu.memory_space<hbm>> -> memref<1x64xi32, #tpu.memory_space<hbm>>
      %dma_wait3A_125 = tpu.memref_squeeze %dma_wait3A_124 : memref<1x64xi32, #tpu.memory_space<hbm>> -> memref<64xi32, #tpu.memory_space<hbm>>
      tpu.wait_dma2 semaphore(%run_scoped3A : memref<!tpu.dma_semaphore, #tpu.memory_space<semaphore_mem>>) src(%arg11 : memref<64xi32, #tpu.memory_space<vmem>>) dst(%dma_wait3A_125 : memref<64xi32, #tpu.memory_space<hbm>>)
      tpu.yield
    }) : () -> ()
    return
  }
}

module attributes {stable_mosaic.version = 14 : i64} {
  func.func @_tc_body(%arg0: i32, %arg1: memref<32x2xf32, #tpu.memory_space<smem>>, %arg2: memref<34x32x20000xf32, #tpu.memory_space<any>>, %arg3: memref<1x1x64xi32, #tpu.memory_space<vmem>>, %arg4: memref<34x51xf32, #tpu.memory_space<vmem>>, %arg5: memref<1x64x51xf32, #tpu.memory_space<vmem>>, %arg6: memref<34x20000xf32, #tpu.memory_space<vmem>>, %arg7: memref<34x20000xf32, #tpu.memory_space<vmem>>, %arg8: memref<!tpu.dma_semaphore, #tpu.memory_space<semaphore_mem>>, %arg9: memref<!tpu.dma_semaphore, #tpu.memory_space<semaphore_mem>>) attributes {dimension_semantics = [#tpu.dimension_semantics<arbitrary>], iteration_bounds = array<i64: 32>, scalar_prefetch = 1 : i64, scratch_operands = 4 : i64, tpu.core_type = #tpu.core_type<tc>, window_params = [{}, {transform_indices = @transform_1, window_bounds = array<i64: 1, 1, 64>}, {pipeline_mode = #tpu.pipeline_mode<synchronous>, transform_indices = @transform_2, window_bounds = array<i64: 34, 51>}, {transform_indices = @transform_3, window_bounds = array<i64: 1, 64, 51>}]} {
    %eq3A = arith.constant 0 : i32
    %eq3A_0 = arith.cmpi eq, %arg0, %eq3A : i32
    %convert_element_type3A = arith.extui %eq3A_0 : i1 to i32
    %cond3A = arith.constant 0 : i32
    %cond3A_1 = arith.cmpi ne, %convert_element_type3A, %cond3A : i32
    scf.if %cond3A_1 {
      %dma_start3A = arith.constant 0 : i32
      %dma_start3A_15 = arith.constant 0 : i32
      %dma_start3A_16 = arith.constant 0 : i32
      %dma_start3A_17 = tpu.memref_slice %arg2[%dma_start3A_15, %dma_start3A, %dma_start3A_16] : memref<34x32x20000xf32, #tpu.memory_space<any>> -> memref<34x1x20000xf32, #tpu.memory_space<any>>
      %dma_start3A_18 = tpu.memref_squeeze %dma_start3A_17 : memref<34x1x20000xf32, #tpu.memory_space<any>> -> memref<34x20000xf32, #tpu.memory_space<any>>
      tpu.enqueue_dma source(%dma_start3A_18 : memref<34x20000xf32, #tpu.memory_space<any>>) target(%arg6 : memref<34x20000xf32, #tpu.memory_space<vmem>>) target_semaphore(%arg8 : memref<!tpu.dma_semaphore, #tpu.memory_space<semaphore_mem>>)
    } else {
    }
    %and3A = arith.constant 1 : i32
    %and3A_2 = arith.andi %arg0, %and3A : i32
    %eq3A_3 = arith.constant 0 : i32
    %eq3A_4 = arith.cmpi eq, %and3A_2, %eq3A_3 : i32
    %convert_element_type3A_5 = arith.extui %eq3A_4 : i1 to i32
    %cond3A_6 = arith.constant 0 : i32
    %cond3A_7 = arith.cmpi ne, %convert_element_type3A_5, %cond3A_6 : i32
    scf.if %cond3A_7 {
      %add3A = arith.constant 1 : i32
      %add3A_15 = arith.addi %arg0, %add3A : i32
      %lt3A = arith.constant 32 : i32
      %lt3A_16 = arith.cmpi slt, %add3A_15, %lt3A : i32
      %convert_element_type3A_17 = arith.extui %lt3A_16 : i1 to i32
      %cond3A_18 = arith.constant 0 : i32
      %cond3A_19 = arith.cmpi ne, %convert_element_type3A_17, %cond3A_18 : i32
      scf.if %cond3A_19 {
        %add3A_90 = arith.constant 1 : i32
        %add3A_91 = arith.addi %arg0, %add3A_90 : i32
        %dma_start3A = arith.constant 0 : i32
        %dma_start3A_92 = arith.constant 0 : i32
        %dma_start3A_93 = tpu.memref_slice %arg2[%dma_start3A, %add3A_91, %dma_start3A_92] : memref<34x32x20000xf32, #tpu.memory_space<any>> -> memref<34x1x20000xf32, #tpu.memory_space<any>>
        %dma_start3A_94 = tpu.memref_squeeze %dma_start3A_93 : memref<34x1x20000xf32, #tpu.memory_space<any>> -> memref<34x20000xf32, #tpu.memory_space<any>>
        tpu.enqueue_dma source(%dma_start3A_94 : memref<34x20000xf32, #tpu.memory_space<any>>) target(%arg7 : memref<34x20000xf32, #tpu.memory_space<vmem>>) target_semaphore(%arg9 : memref<!tpu.dma_semaphore, #tpu.memory_space<semaphore_mem>>)
      } else {
      }
      %dma_wait3A = arith.constant 0 : i32
      %dma_wait3A_20 = arith.constant 0 : i32
      %dma_wait3A_21 = tpu.memref_slice %arg2[%dma_wait3A, %arg0, %dma_wait3A_20] : memref<34x32x20000xf32, #tpu.memory_space<any>> -> memref<34x1x20000xf32, #tpu.memory_space<any>>
      %dma_wait3A_22 = tpu.memref_squeeze %dma_wait3A_21 : memref<34x1x20000xf32, #tpu.memory_space<any>> -> memref<34x20000xf32, #tpu.memory_space<any>>
      tpu.wait_dma2 semaphore(%arg8 : memref<!tpu.dma_semaphore, #tpu.memory_space<semaphore_mem>>) src(%dma_wait3A_22 : memref<34x20000xf32, #tpu.memory_space<any>>) dst(%arg6 : memref<34x20000xf32, #tpu.memory_space<vmem>>)
      %iota3A = tpu.iota {dimensions = array<i32: 0>} : vector<20000x64xi32>
      %get3A = arith.constant 0 : index
      %get3A_23 = arith.constant 0 : index
      %get3A_24 = arith.constant 0 : index
      %get3A_25 = vector.load %arg3[%get3A, %get3A_23, %get3A_24] : memref<1x1x64xi32, #tpu.memory_space<vmem>>, vector<1x1x64xi32>
      %get3A_26 = vector.shape_cast %get3A_25 : vector<1x1x64xi32> to vector<1x64xi32>
      %eq3A_27 = vector.broadcast %get3A_26 : vector<1x64xi32> to vector<20000x64xi32>
      %eq3A_28 = arith.cmpi eq, %iota3A, %eq3A_27 : vector<20000x64xi32>
      %convert_element_type3A_29 = arith.extui %eq3A_28 : vector<20000x64xi1> to vector<20000x64xi32>
      %convert_element_type3A_30 = arith.sitofp %convert_element_type3A_29 : vector<20000x64xi32> to vector<20000x64xf32>
      %get3A_31 = arith.constant 0 : index
      %get3A_32 = arith.constant 0 : index
      %get3A_33 = vector.load %arg6[%get3A_31, %get3A_32] : memref<34x20000xf32, #tpu.memory_space<vmem>>, vector<34x20000xf32>
      %dot_general3A = arith.constant dense<0.000000e+00> : vector<34x64xf32>
      %dot_general3A_34 = tpu.matmul %get3A_33, %convert_element_type3A_30, %dot_general3A {dimension_numbers = #tpu.dot_dimension_numbers<[1], [0], [0], [1], [0, 0, 1, 1], [], []>, transpose_lhs_hint = false} : vector<34x20000xf32>, vector<20000x64xf32>, vector<34x64xf32> -> vector<34x64xf32>
      %transpose3A = tpu.transpose %dot_general3A_34, [1, 0] : vector<34x64xf32> -> vector<64x34xf32>
      %get3A_35 = arith.constant 0 : index
      %get3A_36 = arith.constant 0 : index
      %get3A_37 = vector.load %arg4[%get3A_35, %get3A_36] : memref<34x51xf32, #tpu.memory_space<vmem>>, vector<34x51xf32>
      %dot_general3A_38 = arith.constant dense<0.000000e+00> : vector<64x51xf32>
      %dot_general3A_39 = tpu.matmul %transpose3A, %get3A_37, %dot_general3A_38 {dimension_numbers = #tpu.dot_dimension_numbers<[1], [0], [0], [1], [0, 0, 1, 1], [], []>, precision = #tpu.contract_precision<fp32>, transpose_lhs_hint = false} : vector<64x34xf32>, vector<34x51xf32>, vector<64x51xf32> -> vector<64x51xf32>
      %get3A_40 = arith.index_cast %arg0 : i32 to index
      %get3A_41 = arith.constant 0 : index
      %get3A_42 = memref.load %arg1[%get3A_40, %get3A_41] : memref<32x2xf32, #tpu.memory_space<smem>>
      %get3A_43 = arith.index_cast %arg0 : i32 to index
      %get3A_44 = arith.constant 1 : index
      %get3A_45 = memref.load %arg1[%get3A_43, %get3A_44] : memref<32x2xf32, #tpu.memory_space<smem>>
      %iota3A_46 = tpu.iota {dimensions = array<i32: 1>} : vector<64x51xi32>
      %jit3A = arith.constant 3 : i32
      %eq3A_47 = arith.constant 0 : i32
      %eq3A_48 = arith.cmpi eq, %jit3A, %eq3A_47 : i32
      %jit3A_49 = arith.constant 1 : i32
      %select_n3A = arith.select %eq3A_48, %jit3A_49, %jit3A : i32
      %rem3A = vector.broadcast %select_n3A : i32 to vector<64x51xi32>
      %rem3A_50 = arith.remsi %iota3A_46, %rem3A : vector<64x51xi32>
      %ne3A = arith.constant 0 : i32
      %ne3A_51 = vector.broadcast %ne3A : i32 to vector<64x51xi32>
      %ne3A_52 = arith.cmpi ne, %rem3A_50, %ne3A_51 : vector<64x51xi32>
      %lt3A_53 = arith.constant 0 : i32
      %lt3A_54 = vector.broadcast %lt3A_53 : i32 to vector<64x51xi32>
      %lt3A_55 = arith.cmpi slt, %rem3A_50, %lt3A_54 : vector<64x51xi32>
      %lt3A_56 = arith.constant 0 : i32
      %lt3A_57 = arith.cmpi slt, %select_n3A, %lt3A_56 : i32
      %ne3A_58 = vector.broadcast %lt3A_57 : i1 to vector<64x51xi1>
      %ne3A_59 = vector.broadcast %ne3A_58 : vector<64x51xi1> to vector<64x51xi1>
      %ne3A_60 = arith.xori %lt3A_55, %ne3A_59 : vector<64x51xi1>
      %and3A_61 = arith.andi %ne3A_60, %ne3A_52 : vector<64x51xi1>
      %add3A_62 = vector.broadcast %select_n3A : i32 to vector<64x51xi32>
      %add3A_63 = arith.addi %rem3A_50, %add3A_62 : vector<64x51xi32>
      %select_n3A_64 = arith.select %and3A_61, %add3A_63, %rem3A_50 : vector<64x51xi1>, vector<64x51xi32>
      %eq3A_65 = arith.constant 0 : i32
      %eq3A_66 = vector.broadcast %eq3A_65 : i32 to vector<64x51xi32>
      %eq3A_67 = arith.cmpi eq, %select_n3A_64, %eq3A_66 : vector<64x51xi32>
      %eq3A_68 = arith.constant 1 : i32
      %eq3A_69 = vector.broadcast %eq3A_68 : i32 to vector<64x51xi32>
      %eq3A_70 = arith.cmpi eq, %select_n3A_64, %eq3A_69 : vector<64x51xi32>
      %jit3A_71 = arith.constant 0.000000e+00 : f32
      %broadcast_in_dim3A = vector.broadcast %get3A_42 : f32 to vector<64x51xf32>
      %broadcast_in_dim3A_72 = vector.broadcast %jit3A_71 : f32 to vector<64x51xf32>
      %select_n3A_73 = arith.select %eq3A_70, %broadcast_in_dim3A, %broadcast_in_dim3A_72 : vector<64x51xi1>, vector<64x51xf32>
      %broadcast_in_dim3A_74 = vector.broadcast %get3A_45 : f32 to vector<64x51xf32>
      %select_n3A_75 = arith.select %eq3A_67, %broadcast_in_dim3A_74, %select_n3A_73 : vector<64x51xi1>, vector<64x51xf32>
      %eq3A_76 = arith.constant 2 : i32
      %eq3A_77 = vector.broadcast %eq3A_76 : i32 to vector<64x51xi32>
      %eq3A_78 = arith.cmpi eq, %select_n3A_64, %eq3A_77 : vector<64x51xi32>
      %jit3A_79 = arith.constant 1.000000e+00 : f32
      %jit3A_80 = arith.constant 0.000000e+00 : f32
      %broadcast_in_dim3A_81 = vector.broadcast %jit3A_79 : f32 to vector<64x51xf32>
      %broadcast_in_dim3A_82 = vector.broadcast %jit3A_80 : f32 to vector<64x51xf32>
      %select_n3A_83 = arith.select %eq3A_78, %broadcast_in_dim3A_81, %broadcast_in_dim3A_82 : vector<64x51xi1>, vector<64x51xf32>
      %mul3A = arith.mulf %dot_general3A_39, %select_n3A_75 : vector<64x51xf32>
      %add3A_84 = arith.addf %mul3A, %select_n3A_83 : vector<64x51xf32>
      %swap3A = arith.constant 0 : index
      %swap3A_85 = arith.constant 0 : index
      %swap3A_86 = arith.constant 0 : index
      %swap3A_87 = vector.load %arg5[%swap3A, %swap3A_85, %swap3A_86] : memref<1x64x51xf32, #tpu.memory_space<vmem>>, vector<1x64x51xf32>
      %swap3A_88 = vector.shape_cast %swap3A_87 : vector<1x64x51xf32> to vector<64x51xf32>
      %swap3A_89 = vector.shape_cast %add3A_84 : vector<64x51xf32> to vector<1x64x51xf32>
      tpu.vector_store %arg5[%swap3A, %swap3A_85, %swap3A_86], %swap3A_89 {strides = array<i32>} : memref<1x64x51xf32, #tpu.memory_space<vmem>>, vector<1x64x51xf32>,
    } else {
    }
    %and3A_8 = arith.constant 1 : i32
    %and3A_9 = arith.andi %arg0, %and3A_8 : i32
    %eq3A_10 = arith.constant 1 : i32
    %eq3A_11 = arith.cmpi eq, %and3A_9, %eq3A_10 : i32
    %convert_element_type3A_12 = arith.extui %eq3A_11 : i1 to i32
    %cond3A_13 = arith.constant 0 : i32
    %cond3A_14 = arith.cmpi ne, %convert_element_type3A_12, %cond3A_13 : i32
    scf.if %cond3A_14 {
      %add3A = arith.constant 1 : i32
      %add3A_15 = arith.addi %arg0, %add3A : i32
      %lt3A = arith.constant 32 : i32
      %lt3A_16 = arith.cmpi slt, %add3A_15, %lt3A : i32
      %convert_element_type3A_17 = arith.extui %lt3A_16 : i1 to i32
      %cond3A_18 = arith.constant 0 : i32
      %cond3A_19 = arith.cmpi ne, %convert_element_type3A_17, %cond3A_18 : i32
      scf.if %cond3A_19 {
        %add3A_90 = arith.constant 1 : i32
        %add3A_91 = arith.addi %arg0, %add3A_90 : i32
        %dma_start3A = arith.constant 0 : i32
        %dma_start3A_92 = arith.constant 0 : i32
        %dma_start3A_93 = tpu.memref_slice %arg2[%dma_start3A, %add3A_91, %dma_start3A_92] : memref<34x32x20000xf32, #tpu.memory_space<any>> -> memref<34x1x20000xf32, #tpu.memory_space<any>>
        %dma_start3A_94 = tpu.memref_squeeze %dma_start3A_93 : memref<34x1x20000xf32, #tpu.memory_space<any>> -> memref<34x20000xf32, #tpu.memory_space<any>>
        tpu.enqueue_dma source(%dma_start3A_94 : memref<34x20000xf32, #tpu.memory_space<any>>) target(%arg6 : memref<34x20000xf32, #tpu.memory_space<vmem>>) target_semaphore(%arg8 : memref<!tpu.dma_semaphore, #tpu.memory_space<semaphore_mem>>)
      } else {
      }
      %dma_wait3A = arith.constant 0 : i32
      %dma_wait3A_20 = arith.constant 0 : i32
      %dma_wait3A_21 = tpu.memref_slice %arg2[%dma_wait3A, %arg0, %dma_wait3A_20] : memref<34x32x20000xf32, #tpu.memory_space<any>> -> memref<34x1x20000xf32, #tpu.memory_space<any>>
      %dma_wait3A_22 = tpu.memref_squeeze %dma_wait3A_21 : memref<34x1x20000xf32, #tpu.memory_space<any>> -> memref<34x20000xf32, #tpu.memory_space<any>>
      tpu.wait_dma2 semaphore(%arg9 : memref<!tpu.dma_semaphore, #tpu.memory_space<semaphore_mem>>) src(%dma_wait3A_22 : memref<34x20000xf32, #tpu.memory_space<any>>) dst(%arg7 : memref<34x20000xf32, #tpu.memory_space<vmem>>)
      %iota3A = tpu.iota {dimensions = array<i32: 0>} : vector<20000x64xi32>
      %get3A = arith.constant 0 : index
      %get3A_23 = arith.constant 0 : index
      %get3A_24 = arith.constant 0 : index
      %get3A_25 = vector.load %arg3[%get3A, %get3A_23, %get3A_24] : memref<1x1x64xi32, #tpu.memory_space<vmem>>, vector<1x1x64xi32>
      %get3A_26 = vector.shape_cast %get3A_25 : vector<1x1x64xi32> to vector<1x64xi32>
      %eq3A_27 = vector.broadcast %get3A_26 : vector<1x64xi32> to vector<20000x64xi32>
      %eq3A_28 = arith.cmpi eq, %iota3A, %eq3A_27 : vector<20000x64xi32>
      %convert_element_type3A_29 = arith.extui %eq3A_28 : vector<20000x64xi1> to vector<20000x64xi32>
      %convert_element_type3A_30 = arith.sitofp %convert_element_type3A_29 : vector<20000x64xi32> to vector<20000x64xf32>
      %get3A_31 = arith.constant 0 : index
      %get3A_32 = arith.constant 0 : index
      %get3A_33 = vector.load %arg7[%get3A_31, %get3A_32] : memref<34x20000xf32, #tpu.memory_space<vmem>>, vector<34x20000xf32>
      %dot_general3A = arith.constant dense<0.000000e+00> : vector<34x64xf32>
      %dot_general3A_34 = tpu.matmul %get3A_33, %convert_element_type3A_30, %dot_general3A {dimension_numbers = #tpu.dot_dimension_numbers<[1], [0], [0], [1], [0, 0, 1, 1], [], []>, transpose_lhs_hint = false} : vector<34x20000xf32>, vector<20000x64xf32>, vector<34x64xf32> -> vector<34x64xf32>
      %transpose3A = tpu.transpose %dot_general3A_34, [1, 0] : vector<34x64xf32> -> vector<64x34xf32>
      %get3A_35 = arith.constant 0 : index
      %get3A_36 = arith.constant 0 : index
      %get3A_37 = vector.load %arg4[%get3A_35, %get3A_36] : memref<34x51xf32, #tpu.memory_space<vmem>>, vector<34x51xf32>
      %dot_general3A_38 = arith.constant dense<0.000000e+00> : vector<64x51xf32>
      %dot_general3A_39 = tpu.matmul %transpose3A, %get3A_37, %dot_general3A_38 {dimension_numbers = #tpu.dot_dimension_numbers<[1], [0], [0], [1], [0, 0, 1, 1], [], []>, precision = #tpu.contract_precision<fp32>, transpose_lhs_hint = false} : vector<64x34xf32>, vector<34x51xf32>, vector<64x51xf32> -> vector<64x51xf32>
      %get3A_40 = arith.index_cast %arg0 : i32 to index
      %get3A_41 = arith.constant 0 : index
      %get3A_42 = memref.load %arg1[%get3A_40, %get3A_41] : memref<32x2xf32, #tpu.memory_space<smem>>
      %get3A_43 = arith.index_cast %arg0 : i32 to index
      %get3A_44 = arith.constant 1 : index
      %get3A_45 = memref.load %arg1[%get3A_43, %get3A_44] : memref<32x2xf32, #tpu.memory_space<smem>>
      %iota3A_46 = tpu.iota {dimensions = array<i32: 1>} : vector<64x51xi32>
      %jit3A = arith.constant 3 : i32
      %eq3A_47 = arith.constant 0 : i32
      %eq3A_48 = arith.cmpi eq, %jit3A, %eq3A_47 : i32
      %jit3A_49 = arith.constant 1 : i32
      %select_n3A = arith.select %eq3A_48, %jit3A_49, %jit3A : i32
      %rem3A = vector.broadcast %select_n3A : i32 to vector<64x51xi32>
      %rem3A_50 = arith.remsi %iota3A_46, %rem3A : vector<64x51xi32>
      %ne3A = arith.constant 0 : i32
      %ne3A_51 = vector.broadcast %ne3A : i32 to vector<64x51xi32>
      %ne3A_52 = arith.cmpi ne, %rem3A_50, %ne3A_51 : vector<64x51xi32>
      %lt3A_53 = arith.constant 0 : i32
      %lt3A_54 = vector.broadcast %lt3A_53 : i32 to vector<64x51xi32>
      %lt3A_55 = arith.cmpi slt, %rem3A_50, %lt3A_54 : vector<64x51xi32>
      %lt3A_56 = arith.constant 0 : i32
      %lt3A_57 = arith.cmpi slt, %select_n3A, %lt3A_56 : i32
      %ne3A_58 = vector.broadcast %lt3A_57 : i1 to vector<64x51xi1>
      %ne3A_59 = vector.broadcast %ne3A_58 : vector<64x51xi1> to vector<64x51xi1>
      %ne3A_60 = arith.xori %lt3A_55, %ne3A_59 : vector<64x51xi1>
      %and3A_61 = arith.andi %ne3A_60, %ne3A_52 : vector<64x51xi1>
      %add3A_62 = vector.broadcast %select_n3A : i32 to vector<64x51xi32>
      %add3A_63 = arith.addi %rem3A_50, %add3A_62 : vector<64x51xi32>
      %select_n3A_64 = arith.select %and3A_61, %add3A_63, %rem3A_50 : vector<64x51xi1>, vector<64x51xi32>
      %eq3A_65 = arith.constant 0 : i32
      %eq3A_66 = vector.broadcast %eq3A_65 : i32 to vector<64x51xi32>
      %eq3A_67 = arith.cmpi eq, %select_n3A_64, %eq3A_66 : vector<64x51xi32>
      %eq3A_68 = arith.constant 1 : i32
      %eq3A_69 = vector.broadcast %eq3A_68 : i32 to vector<64x51xi32>
      %eq3A_70 = arith.cmpi eq, %select_n3A_64, %eq3A_69 : vector<64x51xi32>
      %jit3A_71 = arith.constant 0.000000e+00 : f32
      %broadcast_in_dim3A = vector.broadcast %get3A_42 : f32 to vector<64x51xf32>
      %broadcast_in_dim3A_72 = vector.broadcast %jit3A_71 : f32 to vector<64x51xf32>
      %select_n3A_73 = arith.select %eq3A_70, %broadcast_in_dim3A, %broadcast_in_dim3A_72 : vector<64x51xi1>, vector<64x51xf32>
      %broadcast_in_dim3A_74 = vector.broadcast %get3A_45 : f32 to vector<64x51xf32>
      %select_n3A_75 = arith.select %eq3A_67, %broadcast_in_dim3A_74, %select_n3A_73 : vector<64x51xi1>, vector<64x51xf32>
      %eq3A_76 = arith.constant 2 : i32
      %eq3A_77 = vector.broadcast %eq3A_76 : i32 to vector<64x51xi32>
      %eq3A_78 = arith.cmpi eq, %select_n3A_64, %eq3A_77 : vector<64x51xi32>
      %jit3A_79 = arith.constant 1.000000e+00 : f32
      %jit3A_80 = arith.constant 0.000000e+00 : f32
      %broadcast_in_dim3A_81 = vector.broadcast %jit3A_79 : f32 to vector<64x51xf32>
      %broadcast_in_dim3A_82 = vector.broadcast %jit3A_80 : f32 to vector<64x51xf32>
      %select_n3A_83 = arith.select %eq3A_78, %broadcast_in_dim3A_81, %broadcast_in_dim3A_82 : vector<64x51xi1>, vector<64x51xf32>
      %mul3A = arith.mulf %dot_general3A_39, %select_n3A_75 : vector<64x51xf32>
      %add3A_84 = arith.addf %mul3A, %select_n3A_83 : vector<64x51xf32>
      %swap3A = arith.constant 0 : index
      %swap3A_85 = arith.constant 0 : index
      %swap3A_86 = arith.constant 0 : index
      %swap3A_87 = vector.load %arg5[%swap3A, %swap3A_85, %swap3A_86] : memref<1x64x51xf32, #tpu.memory_space<vmem>>, vector<1x64x51xf32>
      %swap3A_88 = vector.shape_cast %swap3A_87 : vector<1x64x51xf32> to vector<64x51xf32>
      %swap3A_89 = vector.shape_cast %add3A_84 : vector<64x51xf32> to vector<1x64x51xf32>
      tpu.vector_store %arg5[%swap3A, %swap3A_85, %swap3A_86], %swap3A_89 {strides = array<i32>} : memref<1x64x51xf32, #tpu.memory_space<vmem>>, vector<1x64x51xf32>,
    } else {
    }
    return
  }
  func.func @transform_1(%arg0: i32, %arg1: memref<32x2xf32, #tpu.memory_space<smem>>) -> (i32, i32, i32) {
    %c0_i32 = arith.constant 0 : i32
    %c0_i32_0 = arith.constant 0 : i32
    %c0_i32_1 = arith.constant 0 : i32
    return %arg0, %c0_i32, %c0_i32_0 : i32, i32, i32
  }
  func.func @transform_2(%arg0: i32, %arg1: memref<32x2xf32, #tpu.memory_space<smem>>) -> (i32, i32) {
    %c0_i32 = arith.constant 0 : i32
    %c0_i32_0 = arith.constant 0 : i32
    %c0_i32_1 = arith.constant 0 : i32
    return %c0_i32, %c0_i32_0 : i32, i32
  }
  func.func @transform_3(%arg0: i32, %arg1: memref<32x2xf32, #tpu.memory_space<smem>>) -> (i32, i32, i32) {
    %c0_i32 = arith.constant 0 : i32
    %c0_i32_0 = arith.constant 0 : i32
    %c0_i32_1 = arith.constant 0 : i32
    return %arg0, %c0_i32, %c0_i32_0 : i32, i32, i32
  }
}

</mosaic_0001>

<sc_bundles>
// kernel: _post_process.4.cloned.1.call-start
scs
__scs_entry_jumppad:
0x0: {  	(pc) =	sbr.rel $0x88, $3  }
0x1: {  	(tag) =	ssettag $0x0;
	lr =	simm.s32 $0x1  }
0x2: {  	[smem:$0x3F9E] =	sst lr;
	_ =	strace $0xD0000000  }
0x3: {  	_ = 	snop  }
0x4: {  	_ = 	snop  }
0x5: {  	_ = 	snop  }
0x6: {  	_ = 	snop  }
0x7: {  	_ = 	snop  }
__scs_overlays_trampoline_lowered:
0x8: {  	[smem:$0x3FAD] =	sst s0  }
0x9: {  	[smem:$0x3FAE] =	sst s1  }
0xa: {  	[smem:$0x3FAF] =	sst s2  }
0xb: {  	[smem:$0x3FB0] =	sst s3  }
0xc: {  	[smem:$0x3FB1] =	sst s4  }
0xd: {  	[smem:$0x3FB2] =	sst s5  }
0xe: {  	[smem:$0x3FB3] =	sst s6  }
0xf: {  	[smem:$0x3FB4] =	sst s7  }
0x10: {  	[smem:$0x3FB5] =	sst s8  }
0x11: {  	[smem:$0x3FB6] =	sst s9;
	s0 =	simm.s32 @!p0 $0x0  }
0x12: {  	s1 =	sld [smem:$0x3F9C];
	s0 =	simm.s32 @p0 $0x1  }
0x13: {  	[smem:$0x3FB7] =	sst s0;
	s0 =	simm.s32 @!p1 $0x0  }
0x14: {  	s2 =	sld [smem:$0x3F9B];
	s0 =	simm.s32 @p1 $0x1  }
0x15: {  	[smem:$0x3FB8] =	sst s0;
	s0 =	simm.s32 @!p2 $0x0  }
0x16: {  	s3 =	sld [smem:$0x3FDB];
	s0 =	simm.s32 @p2 $0x1  }
0x17: {  	s4 =	simm.s32 $0x1BF5;
	[smem:$0x3FBA] =	sst s0  }
0x18: {  	s0 =	sld [smem:$0x3F9D];
	_ =	swait.ge [sflag:s4], $0x0  }
0x19: {  	s7 =	sld [smem:$0x3F9E]  }
0x1a: {  	s8 =	sadd.s32 $0xFFFFE003, lr  }
0x1b: {  	s9 =	sadd.s32 $0xFFFFFEF7, lr;
	s5 =	simm.s32 $0xFFFFFFFF;
	p2 =	slt.u32 s8, $0xFFFFF086  }
0x1c: {  	p1 =	slt.u32 s9, $0xF7A;
	s5 =	simm.s32 @!p2 $0x0  }
0x1d: {  	s5 =	simm.s32 @p1 $0x1;
	p0 =	seq.s32 s7, s2  }
0x1e: {  	s7 =	smul.u32 @!p0 $0xF7A, s2;
	p2 =	seq.s32 @!p0 s5, $0x0  }
0x1f: {  	s9 =	smul.u32 $0xF7A, s1;
	s8 =	simm.s32 @!p0 $0x1BF5;
	p2 =	por !p2, p0  }
0x20: {  	[sflag:s8] =	ssyncset.s32 @!p0 $0xFFFFF086;
	s6 =	sadd.s32 @!p0 s3, s7;
	s7 =	simm.s32 @!p0 $0x108  }
0x21: {  	s3 =	sadd.s32 s3, s9;
	s6 =	sadd.s32 @!p0 $0x88, s6;
	s7 =	simm.s32 @p2 $0x1082  }
0x22: {  	[simem:s7], [sflag:s8] =	dma.local @!p0 [hbm:s6], $0xF7A  }
0x23: {  	s9 =	sor.u32 $0xD0000000, s2;
	s6 =	simm.s32 $0x108;
	_ =	swait.ge @!p0 [sflag:s8], $0x0  }
0x24: {  	s3 =	sadd.s32 $0x88, s3;
	s6 =	simm.s32 @!p1 $0x1082;
	[sflag:s4] =	ssyncset.s32 $0xFFFFF086  }
0x25: {  	[simem:s6], [sflag:s4] =	dma.local [hbm:s3], $0xF7A  }
0x26: {  	[smem:$0x3F9E] =	sst s1;
	(tag) =	ssettag s2;
	_ =	strace s9  }
0x27: {  	s1 =	sld [smem:$0x3FAE]  }
0x28: {  	s2 =	sld [smem:$0x3FAF]  }
0x29: {  	s4 =	sld [smem:$0x3FB1]  }
0x2a: {  	p0 =	seq.s32 s5, $0x0;
	s5 =	sld [smem:$0x3FB2]  }
0x2b: {  	s6 =	sld [smem:$0x3FB3]  }
0x2c: {  	s7 =	sld [smem:$0x3FB4]  }
0x2d: {  	s3 =	simm.s32 $0x108;
	s8 =	sld [smem:$0x3FB5]  }
0x2e: {  	s3 =	simm.s32 @!p0 $0x1082;
	s9 =	sld [smem:$0x3FB6]  }
0x2f: {  	lr =	sadd.s32 s0, s3;
	s0 =	sld [smem:$0x3FAD]  }
0x30: {  	s3 =	sld [smem:$0x3FB0]  }
0x31: {  	[smem:$0x3FB9] =	sst s10  }
0x32: {  	s10 =	sld [smem:$0x3FB7];
	_ =	sdelay $0x3  }
0x33: {  	p0 =	seq.s32 s10, $0x1;
	s10 =	sld [smem:$0x3FB9];
	_ =	sdelay $0x3  }
0x34: {  	[smem:$0x3FB9] =	sst s10  }
0x35: {  	s10 =	sld [smem:$0x3FB8];
	_ =	sdelay $0x3  }
0x36: {  	p1 =	seq.s32 s10, $0x1;
	s10 =	sld [smem:$0x3FB9];
	_ =	sdelay $0x3  }
0x37: {  	[smem:$0x3FB9] =	sst s10  }
0x38: {  	s10 =	sld [smem:$0x3FBA]  }
0x39: {  	_ = 	snop;
	(pc) =	sbr.ind lr, $3  }
0x3a: {  	_ = 	snop  }
0x3b: {  	_ = 	snop  }
0x3c: {  	p2 =	seq.s32 s10, $0x1;
	s10 =	sld [smem:$0x3FB9]  }
0x3d: {  	_ =	shalt  }
0x3e: {  	_ =	shalt  }
0x3f: {  	_ =	shalt  }
0x40: {  	_ =	shalt  }
0x41: {  	_ =	shalt  }
0x42: {  	_ =	shalt  }
0x43: {  	_ =	shalt  }
0x44: {  	_ =	shalt  }
0x45: {  	_ =	shalt  }
0x46: {  	_ =	shalt  }
0x47: {  	_ =	shalt  }
0x48: {  	_ =	shalt  }
0x49: {  	_ =	shalt  }
0x4a: {  	_ =	shalt  }
0x4b: {  	_ =	shalt  }
0x4c: {  	_ =	shalt  }
0x4d: {  	_ =	shalt  }
0x4e: {  	_ =	shalt  }
0x4f: {  	_ =	shalt  }
0x50: {  	_ =	shalt  }
0x51: {  	_ =	shalt  }
0x52: {  	_ =	shalt  }
0x53: {  	_ =	shalt  }
0x54: {  	_ =	shalt  }
0x55: {  	_ =	shalt  }
0x56: {  	_ =	shalt  }
0x57: {  	_ =	shalt  }
0x58: {  	_ =	shalt  }
0x59: {  	_ =	shalt  }
0x5a: {  	_ =	shalt  }
0x5b: {  	_ =	shalt  }
0x5c: {  	_ =	shalt  }
0x5d: {  	_ =	shalt  }
0x5e: {  	_ =	shalt  }
0x5f: {  	_ =	shalt  }
0x60: {  	_ =	shalt  }
0x61: {  	_ =	shalt  }
0x62: {  	_ =	shalt  }
0x63: {  	_ =	shalt  }
0x64: {  	_ =	shalt  }
0x65: {  	_ =	shalt  }
0x66: {  	_ =	shalt  }
0x67: {  	_ =	shalt  }
0x68: {  	_ =	shalt  }
0x69: {  	_ =	shalt  }
0x6a: {  	_ =	shalt  }
0x6b: {  	_ =	shalt  }
0x6c: {  	_ =	shalt  }
0x6d: {  	_ =	shalt  }
0x6e: {  	_ =	shalt  }
0x6f: {  	_ =	shalt  }
0x70: {  	_ =	shalt  }
0x71: {  	_ =	shalt  }
0x72: {  	_ =	shalt  }
0x73: {  	_ =	shalt  }
0x74: {  	_ =	shalt  }
0x75: {  	_ =	shalt  }
0x76: {  	_ =	shalt  }
0x77: {  	_ =	shalt  }
0x78: {  	_ =	shalt  }
0x79: {  	_ =	shalt  }
0x7a: {  	_ =	shalt  }
0x7b: {  	_ =	shalt  }
0x7c: {  	_ =	shalt  }
0x7d: {  	_ =	shalt  }
0x7e: {  	_ =	shalt  }
0x7f: {  	_ =	shalt  }
0x80: {  	_ =	shalt  }
0x81: {  	_ =	shalt  }
0x82: {  	_ =	shalt  }
0x83: {  	_ =	shalt  }
0x84: {  	_ =	shalt  }
0x85: {  	_ =	shalt  }
0x86: {  	_ =	shalt  }
0x87: {  	_ =	shalt  }
.Lfunc_end0:
.L_simem_size_0:
called_computation_lowered:
.L_overlay_start_0:
0x88: {  	s2 =	sld [smem:$0x3FD9]  }
0x89: {  	s3 =	sld [smem:$0x3FFE];
	_ =	sdelay $0x1  }
0x8a: {  	s1 =	srdreg.scid  }
0x8b: {  	s0 =	sand.u32 $0x1, s1  }
0x8c: {  	s14 =	sshll.u32 s0, $0xA;
	s2 =	sadd.s32 s3, s2  }
0x8d: {  	s2 =	sadd.s32 s2, s14  }
0x8e: {  	[smem:$0x3FC5] =	sst s2  }
0x8f: {  	_ = 	snop  }
0x90: {  	s2 =	sld [smem:$0x3FD0];
	_ =	sdelay $0x2  }
0x91: {  	s15 =	simm.s32 $0xA;
	s4 =	simm.s32 $0x10  }
0x92: {  	[smem:s4], [sflag:s15] =	dma.local [hbm:s2], $0x1  }
0x93: {  	_ =	swait.eq [sflag:s15], $0x1  }
0x94: {  	s16 =	sld [smem:$0x10];
	[sflag:s15] =	ssyncset.done $0x0  }
0x95: {  	s17 =	sld [smem:$0x11];
	[sflag:s15] =	ssyncadd.s32 $0xFFFFFFFF  }
0x96: {  	s18 =	sld [smem:$0x12];
	(tm) =	ssettm $0x1  }
0x97: {  	s5 =	sld [smem:$0x3FFB];
	_ =	sdelay $0x3  }
0x98: {  	_ =	strace s5  }
0x99: {  	s5 =	sld [smem:$0x3FFC];
	_ =	sdelay $0x3  }
0x9a: {  	_ =	strace s5  }
0x9b: {  	s5 =	sld [smem:$0x3FFD];
	_ =	sdelay $0x3  }
0x9c: {  	_ =	strace s5  }
0x9d: {  	_ =	strace $0x8FFFFFFF  }
0x9e: {  	s19 =	sld [smem:$0x3FDB];
	_ =	sdelay $0x1  }
0x9f: {  	s6 =	simm.s32 $_scs_section_size  }
0xa0: {  	s7 =	simm.s32 $_size__tile_overlayer_lowered;
	s8 =	simm.s32 $_tile_overlayer_lowered  }
0xa1: {  	s22 =	simm.s32 $0x1BFF;
	s21 =	sshll.u32 s8, $0x1;
	s5 =	sadd.s32 s6, s19  }
0xa2: {  	s9 =	simm.s32 $0x0;
	s20 =	sshll.u32 s7, $0x1;
	s7 =	sadd.s32 s21, s5  }
0xa3: {  	[timem:s9], [sflag:s22] =	dma.local [hbm:s7], s20  }
0xa4: {  	_ =	swait.ge [sflag:s22], s20  }
0xa5: {  	s6 =	ssub.s32 $0x0, s20;
	[sflag:s22] =	ssyncset.done $0x0  }
0xa6: {  	[sflag:s22] =	ssyncadd.s32 s6;
	_ =	sdelay $0x1  }
0xa7: {  	s23 =	simm.s32 $0x1B8B  }
0xa8: {  	_ =	swait.ge [sflag:s23], $0x1  }
0xa9: {  	[sflag:s23] =	ssyncset.done $0x0  }
0xaa: {  	s25 =	simm.s32 $0x1B8E;
	s24 =	sld [smem:$0x3FFE];
	[sflag:s23] =	ssyncadd.s32 $0xFFFFFFFF  }
0xab: {  	s26 =	simm.s32 $execute0_lowered;
	[smem:$0x3FD2] =	sst s25  }
0xac: {  	s7 =	sshll.u32 s26, $0x1;
	_ =	strace $0x80000046;
	[dreg:$0x1] =	wrdreg $0xFFFFFFFF  }
0xad: {  	s28 =	simm.s32 $_size_execute0_lowered;
	s5 =	sadd.s32 s5, s7;
	[dreg:$0x0] =	wrdreg $0x0  }
0xae: {  	s7 =	sshll.u32 s28, $0x1;
	[dreg:$0x2] =	wrdreg s5  }
0xaf: {  	[dreg:$0x3] =	wrdreg s7  }
0xb0: {  	[dreg:$0x4] =	wrdreg $0xC0  }
0xb1: {  	_ =	task [dreg:s9], $0x5FFFF  }
0xb2: {  	[dreg:$0x1] =	wrdreg $0xFFFFFFFF  }
0xb3: {  	[dreg:$0x0] =	wrdreg $0x60  }
0xb4: {  	[dreg:$0x2] =	wrdreg s24  }
0xb5: {  	[dreg:$0x3] =	wrdreg s16  }
0xb6: {  	[dreg:$0x4] =	wrdreg s17  }
0xb7: {  	[dreg:$0x5] =	wrdreg s18  }
0xb8: {  	[dreg:$0x6] =	wrdreg $0x9  }
0xb9: {  	_ =	task.clear_ibuf [dreg:s9], $0x7FFFF;
	_ =	strace $0x90000046  }
0xba: {  	s29 =	simm.s32 $0x9;
	_ =	strace $0x80000048  }
0xbb: {  	_ =	swait.ge [sflag:s29], $0x1  }
0xbc: {  	[sflag:s29] =	ssyncadd.s32 $0xFFFFFFFF  }
0xbd: {  	_ =	strace $0x90000048  }
0xbe: {  	_ =	sfence  }
0xbf: {  	s30 =	sld [smem:$0x0];
	_ =	sdelay $0x2  }
0xc0: {  	s31 =	sshll.u32 s1, $0xD;
	s1 =	sshrl.u32 s1, $0x2  }
0xc1: {  	s3 =	sand.u32 $0x4000, s31;
	s1 =	sadd.s32 s1, s30  }
0xc2: {  	s0 =	sor.u32 s3, s0;
	s1 =	sshll.u32 s1, $0x11  }
0xc3: {  	s0 =	sor.u32 s1, s0  }
0xc4: {  	s0 =	sadd.s32 $0x8F2B, s0  }
0xc5: {  	[sflag:s0] =	ssyncadd.remote.s32 $0x1  }
0xc6: {  	_ =	sfence.sel $0xFFFF  }
0xc7: {  	[dreg:$0x0] =	wrdreg $0xFFFFFFFF;
	(pc) =	sbr.abs _section_cstart, $3  }
0xc8: {  	[dreg:$0x1] =	wrdreg $0xFFFFFFFF  }
0xc9: {  	_ =	task.clear_ibuf [dreg:s9], $0x2FFFF;
	_ =	strace $0x9FFFFFFF  }
0xca: {  	(tm) =	ssettm $0x7FFFFFFF  }
0xcb: {  	_ =	shalt  }
tec
execute0_lowered:
.L_overlay_start_1:
0x0: {  	(tag) =	ssettag $0x1  }
0x1: {  	s3 =	rddreg [dreg:$0x0]  }
0x2: {  	s4 =	rddreg [dreg:$0x1]  }
0x3: {  	s5 =	rddreg [dreg:$0x2]  }
0x4: {  	s6 =	rddreg [dreg:$0x3];
	s1 =	simm.s32 $0x0  }
0x5: {  	[smem:$0x7FF] =	sst s1  }
0x6: {  	s0 =	rddreg [dreg:$0x4];
	v0 =	vimm.f32 $-Inf;
	_ =	strace $0x80000047  }
0x7: {  	v1 =	vimm.s32 $0x1;
	(xrf0) =	vmax.scan.msk.f32 $0xffff, v0  }
0x8: {  	(xrf0) =	vmax.scan.msk.u32 $0xffff, v1;
	_ =	sdelay $0x4  }
0x9: {  	v1, _, _ =	vpop (xrf0)  }
0xa: {  	v2, _, _ =	vpop (xrf0)  }
0xb: {  	(v2sf) =	vpush v2, $0xF;
	_ =	sdelay $0x6  }
0xc: {  	s7 =	srdreg.scid  }
0xd: {  	s2 =	stileid.u32;
	s12 =	simm.s32 $0xBE00;
	s13 =	simm.s32 $0xBE80  }
0xe: {  	s7 =	sand.u32 $0x1, s7;
	s8 =	sshrl.u32 s2, $0x2;
	s9 =	sshll.u32 s2, $0x8  }
0xf: {  	s10 =	sshll.u32 s7, $0x7;
	s9 =	sand.u32 $0x300, s9;
	s11 =	smul.u32 $0x4E400, s8  }
0x10: {  	s14 =	simm.s32 $0x0;
	s7 =	ssub.s32 $0x2, s7;
	s9 =	sor.u32 s10, s9  }
0x11: {  	s8 =	sshll.u32 s8, $0xA;
	s29 =	sshrl.u32 s7, $0x1;
	s10 =	sor.u32 s11, s9  }
0x12: {  	s8 =	sor.u32 s8, s9;
	s7 =	ssub.s32 s7, s29;
	s11 =	simm.s32 $0xBD80  }
.Ltmp0:
0x13: {  	s10 =	sshrl.u32 s10, $0x3;
	s8 =	sshrl.u32 s8, $0x3;
	(pc) =	sbr.rel .LBB2_1-.Ltmp0, $4  }
0x14: {  	s7 =	smax.u32 s7, $0x1;
	s3 =	sadd.s32 s10, s3;
	s30 =	spop (v2sf)  }
0x15: {  	s4 =	sadd.s32 s4, s8;
	s5 =	sadd.s32 s5, s8;
	s31 =	sxor.u32 $0x7FFFFFFF, s30  }
0x16: {  	v5 =	vimm.s32 $0x0;
	v6 =	vimm.s32 $0x7FFFFFFF;
	s6 =	sadd.s32 s6, s8;
	s8 =	simm.s32 $0x80;
	v2 =	vlaneseq.u32;
	s9 =	sadd.s32 $0x1, s31  }
0x17: {  	vm0 =	vmxor vm0, vm0;
	s10 =	simm.s32 $0x1;
	s3 =	sadd.s32 $0xE00, s3;
	v4 =	vmul.u32 $0x2, v2;
	v3 =	vmov s9;
	s9 =	simm.s32 $0x400  }
.LBB2_24:
0x18: {  	v14 =	vsub.f32 $0.0e+00, v14;
	_ =	sdelay $0x1  }
0x19: {  	v14 =	vmul.f32 $1.442695020e+00, v14;
	_ =	sdelay $0x1  }
0x1a: {  	(erf) = vpow2.f32 v14;
	_ =	sdelay $0x8  }
0x1b: {  	v13 =	vsub.f32 $0.0e+00, v13;
	v14 =	vpop (erf)  }
0x1c: {  	v14 =	vadd.f32 $1.000000000e+00, v14  }
0x1d: {  	v13 =	vmul.f32 $1.442695020e+00, v13  }
0x1e: {  	(erf) = vrcp.f32 v14  }
0x1f: {  	(erf) = vpow2.f32 v13;
	_ =	sdelay $0x7  }
0x20: {  	v53 =	vpop (erf)  }
0x21: {  	v12 =	vsub.f32 $0.0e+00, v12;
	v54 =	vpop (erf)  }
0x22: {  	v14 =	vadd.f32 $1.000000000e+00, v54  }
0x23: {  	v12 =	vmul.f32 $1.442695020e+00, v12  }
0x24: {  	(erf) = vrcp.f32 v14  }
0x25: {  	(erf) = vpow2.f32 v12;
	_ =	sdelay $0x7  }
0x26: {  	v55 =	vpop (erf)  }
0x27: {  	v11 =	vsub.f32 $0.0e+00, v11;
	v56 =	vpop (erf)  }
0x28: {  	v14 =	vadd.f32 $1.000000000e+00, v56  }
0x29: {  	v11 =	vmul.f32 $1.442695020e+00, v11  }
0x2a: {  	(erf) = vrcp.f32 v14  }
0x2b: {  	(erf) = vpow2.f32 v11;
	_ =	sdelay $0x7  }
0x2c: {  	v57 =	vpop (erf)  }
0x2d: {  	v58 =	vpop (erf)  }
0x2e: {  	v14 =	vadd.f32 $1.000000000e+00, v58;
	_ =	sdelay $0x1  }
0x2f: {  	v59 =	vand.u32 $0x1, v10;
	(erf) = vrcp.f32 v14  }
0x30: {  	v60 =	vshra.s32 v10, $0x1;
	[tilespmem:$0xBE00] =	vst v59  }
0x31: {  	v61 =	vand.u32 $0x1, v9;
	[tilespmem:$0xBE80] =	vst v60  }
0x32: {  	v62 =	vshra.s32 v9, $0x1;
	[tilespmem:$0xBE10] =	vst v61  }
0x33: {  	v63 =	vand.u32 $0x1, v8;
	[tilespmem:$0xBE90] =	vst v62  }
0x34: {  	v8 =	vshra.s32 v8, $0x1;
	[tilespmem:$0xBE20] =	vst v63  }
0x35: {  	[tilespmem:$0xBEA0] =	vst v8  }
0x36: {  	[tilespmem:$0xBD80] =	vst v53  }
0x37: {  	[tilespmem:$0xBD90] =	vst v55  }
0x38: {  	[tilespmem:$0xBDA0] =	vst v57;
	v8 =	vpop (erf)  }
0x39: {  	[tilespmem:$0xBDB0] =	vst v8;
	v8 =	vand.u32 $0x1, v7  }
0x3a: {  	v7 =	vshra.s32 v7, $0x1;
	[tilespmem:$0xBE30] =	vst v8  }
0x3b: {  	[tilespmem:$0xBEB0] =	vst v7  }
0x3c: {  	[hbm4b:s4+s1] =	stream.linear.scatter [tilespmem:s11], [sflag:$0x1], $0x80, $0x38;
	[tilespmem:$0xBF00] =	vst v63  }
0x3d: {  	_ =	swait.ge [sflag:s10], $0x80  }
0x3e: {  	[sflag:s10] =	ssyncset.done $0x0  }
0x3f: {  	[sflag:s10] =	ssyncadd.s32 $0xFFFFFF80  }
0x40: {  	[hbm4b:s5+s1] =	stream.linear.scatter [tilespmem:s12], [sflag:$0x1], $0x80, $0x38;
	[tilespmem:$0xBF00] =	vst v63  }
0x41: {  	s14 =	sadd.s32 $0x1, s14;
	_ =	swait.ge [sflag:s10], $0x80  }
0x42: {  	p0 =	sne.s32 s14, s7;
	[sflag:s10] =	ssyncset.done $0x0  }
.Ltmp1:
0x43: {  	[sflag:s10] =	ssyncadd.s32 $0xFFFFFF80;
	(pc) =	sbr.rel @!p0 .LBB2_25-.Ltmp1, $4  }
0x44: {  	[hbm4b:s6+s1] =	stream.linear.scatter [tilespmem:s13], [sflag:$0x1], $0x80, $0x38;
	[tilespmem:$0xBF00] =	vst v63  }
0x45: {  	_ =	swait.ge [sflag:s10], $0x80  }
0x46: {  	[sflag:s10] =	ssyncset.done $0x0  }
0x47: {  	[sflag:s10] =	ssyncadd.s32 $0xFFFFFF80  }
.LBB2_1:
0x48: {  	[tilespmem:s1], [sflag:$0x1] =	stream.strided.gather [hbm4b:s3+s8], $0x9C80, s9, s8, $0x38;
	[tilespmem:$0xBF00] =	vst v63  }
0x49: {  	_ =	swait.ge [sflag:s10], $0x9C80  }
0x4a: {  	[sflag:s10] =	ssyncset.done $0x0  }
0x4b: {  	s15 =	simm.s32 $0x0;
	[sflag:s10] =	ssyncadd.s32 $0xFFFF6380  }
0x4c: {  	v7 =	vld [tilespmem:s15+$0x0]  }
0x4d: {  	v8 =	vld [tilespmem:s15+$0x10]  }
0x4e: {  	v9 =	vld [tilespmem:s15+$0x20];
	_ =	sdelay $0x1  }
0x4f: {  	v11 =	vld [tilespmem:s15+$0x30]  }
0x50: {  	v10 =	vmax.f32 v0, v7;
	v12 =	vmin.f32 v0, v7  }
0x51: {  	v13 =	vmax.f32 v0, v12;
	v7 =	vmax.f32 v10, v8;
	v14 =	vmin.f32 v10, v8  }
0x52: {  	v17 =	vimm.f32 $-Inf;
	v15 =	vmax.f32 v13, v14;
	v16 =	vmin.f32 v7, v9  }
0x53: {  	v8 =	vmax.f32 v7, v9;
	v9 =	vimm.f32 $-Inf;
	v7 =	vmax.f32 v15, v16  }
0x54: {  	s15 =	simm.s32 $0x100;
	v10 =	vmax.f32 v8, v11;
	v8 =	vmin.f32 v8, v11;
	v11 =	vimm.f32 $-Inf  }
.LBB2_2:
0x55: {  	s16 =	sshra.s32 s15, $0x2;
	p0 =	sne.s32 s15, $0x27000;
	s15 =	sadd.s32 $0x100, s15;
	v12 =	vmin.f32 v17, v12;
	v13 =	vmin.f32 v13, v14;
	v14 =	vmin.f32 v15, v16  }
0x56: {  	v15 =	vld [tilespmem:s16+$0x0];
	v16 =	vmax.f32 v11, v12;
	v11 =	vmin.f32 v11, v12;
	v12 =	vmin.f32 v7, v8  }
0x57: {  	v18 =	vld [tilespmem:s16+$0x10];
	v9 =	vmax.f32 v9, v11;
	v11 =	vmax.f32 v16, v13;
	v13 =	vmin.f32 v16, v13  }
0x58: {  	v16 =	vld [tilespmem:s16+$0x20];
	v9 =	vmax.f32 v9, v13;
	v13 =	vmax.f32 v11, v14;
	v11 =	vmin.f32 v11, v14  }
0x59: {  	v19 =	vld [tilespmem:s16+$0x30];
	v9 =	vmax.f32 v9, v11;
	v11 =	vmax.f32 v13, v12;
	v12 =	vmin.f32 v13, v12  }
.Ltmp2:
0x5a: {  	v9 =	vmax.f32 v9, v12;
	(pc) =	sbr.rel @p0 .LBB2_2-.Ltmp2, $4  }
0x5b: {  	v17 =	vmax.f32 v7, v8;
	v14 =	vmax.f32 v10, v15;
	v12 =	vmin.f32 v10, v15  }
0x5c: {  	v13 =	vmax.f32 v17, v12;
	v7 =	vmax.f32 v14, v18;
	v14 =	vmin.f32 v14, v18  }
0x5d: {  	v15 =	vmax.f32 v13, v14;
	v8 =	vmax.f32 v7, v16;
	v16 =	vmin.f32 v7, v16  }
0x5e: {  	v7 =	vmax.f32 v15, v16;
	v10 =	vmax.f32 v8, v19;
	v8 =	vmin.f32 v8, v19  }
0x5f: {  	v10 =	vmin.f32 v17, v12;
	v53 =	vmin.f32 v13, v14;
	v54 =	vmin.f32 v15, v16  }
0x60: {  	v7 =	vmin.f32 v7, v8;
	v55 =	vmax.f32 v11, v10;
	v10 =	vmin.f32 v11, v10  }
0x61: {  	v8 =	vmax.f32 v9, v10;
	v9 =	vmax.f32 v55, v53;
	v10 =	vmin.f32 v55, v53  }
0x62: {  	v8 =	vmax.f32 v8, v10;
	v10 =	vmax.f32 v9, v54;
	v9 =	vmin.f32 v9, v54  }
0x63: {  	v8 =	vmax.f32 v8, v9;
	v7 =	vmin.f32 v10, v7  }
0x64: {  	v7 =	vmax.f32 v8, v7  }
0x65: {  	v7 =	vsub.f32 $0.0e+00, v7;
	_ =	sdelay $0x1  }
0x66: {  	(xrf0) =	vmax.scan.msk.f32 $0xffff, v7;
	_ =	sdelay $0x5  }
0x67: {  	v7, _, _ =	vpop (xrf0)  }
0x68: {  	(v2sf) =	vpush v7, $0xF;
	_ =	sdelay $0xc  }
0x69: {  	s15 =	simm.s32 $0x20  }
0x6a: {  	v8 =	vld [tilespmem:s15+$0xFFFFFFE0]  }
0x6b: {  	s16 =	spop (v2sf)  }
0x6c: {  	v9 =	vld [tilespmem:s15+$0xFFFFFFF0];
	s16 =	ssub.f32 $0.0e+00, s16;
	_ =	sdelay $0x1  }
0x6d: {  	v10 =	vld [tilespmem:s15+$0x0];
	v7 =	vmov s16  }
0x6e: {  	vm4 =	vge.f32 v8, v7  }
0x6f: {  	v56 =	vld [tilespmem:s15+$0x10];
	v11 =	vmpcnt.ones.xlane vm4  }
0x70: {  	vm3 =	vge.f32 v9, v7  }
0x71: {  	v57 =	vmpcnt.ones.xlane vm3;
	v11 =	vxor.u32 $0x80000000, v11  }
0x72: {  	vm2 =	vge.f32 v10, v7;
	(xrf0) =	vmax.scan.msk.u32 $0xffff, v11  }
0x73: {  	v13 =	vxor.u32 $0x80000000, v57;
	v11 =	vmpcnt.ones.xlane vm2  }
0x74: {  	vm1 =	vge.f32 v56, v7;
	(xrf0) =	vmax.scan.msk.u32 $0xffff, v13  }
0x75: {  	v58 =	vmpcnt.ones.xlane vm1;
	v11 =	vxor.u32 $0x80000000, v11  }
0x76: {  	(xrf0) =	vmax.scan.msk.u32 $0xffff, v11  }
0x77: {  	v11 =	vxor.u32 $0x80000000, v58  }
0x78: {  	v59, _, _ =	vpop (xrf0)  }
0x79: {  	(xrf0) =	vmax.scan.msk.u32 $0xffff, v11;
	(v2sf) =	vpush v59, $0xF  }
0x7a: {  	v11, _, _ =	vpop (xrf0)  }
0x7b: {  	(v2sf) =	vpush v11, $0xF  }
0x7c: {  	v11, _, _ =	vpop (xrf0)  }
0x7d: {  	(v2sf) =	vpush v11, $0xF;
	_ =	sdelay $0x1  }
0x7e: {  	v11, _, _ =	vpop (xrf0)  }
0x7f: {  	(v2sf) =	vpush v11, $0xF;
	_ =	sdelay $0x6  }
0x80: {  	s26 =	simm.s32 $0x0  }
0x81: {  	s17 =	simm.s32 $0x0;
	v11 =	vmov s26;
	s28 =	spop (v2sf)  }
0x82: {  	s18 =	simm.s32 $0x10;
	p0 =	por $0x1, $0x1;
	v60 =	vshll.u32 v11, $0x1;
	vm5 =	vgt.u32 v11, $0x4E1F;
	s16 =	sadd.s32 $0x0, s28  }
0x83: {  	s17 =	simm.s32 @!p0 $0x1000;
	v62 =	vmov s18;
	v11 =	vor.u32 v4, v60;
	v61 =	vsel vm5, $0xFFFF63C1, v5;
	s29 =	spop (v2sf);
	s16 =	sadd.s32 $0x80000000, s16  }
0x84: {  	s19 =	simm.s32 $0x20;
	vm14 =	vgt.u32 v62, $0x4E1F;
	[tilespmem:s17+$0x9C80] =	vst.msk vm4, v8;
	v8 =	vadd.s32 v11, v61;
	v11 =	vshll.u32 v62, $0x1;
	p0 =	slt.s32 s16, $0x1000;
	s18 =	sadd.s32 s29, s16  }
0x85: {  	v63 =	vmov s19;
	[tilespmem:s17+$0xAD00] =	vst.msk vm4, v8;
	v8 =	vor.u32 v4, v11;
	v11 =	vsel vm14, $0xFFFF63C1, v5;
	s30 =	spop (v2sf);
	s16 =	simm.s32 @!p0 $0x1000;
	s17 =	sadd.s32 $0x80000000, s18  }
0x86: {  	s20 =	simm.s32 $0x30;
	vm15 =	vgt.u32 v63, $0x4E1F;
	v8 =	vadd.s32 v8, v11;
	[tilespmem:s16+$0x9C80] =	vst.msk vm3, v9;
	p0 =	slt.s32 s17, $0x1000;
	v9 =	vshll.u32 v63, $0x1;
	s18 =	sadd.s32 s30, s17  }
0x87: {  	v11 =	vmov s20;
	[tilespmem:s16+$0xAD00] =	vst.msk vm3, v8;
	s17 =	simm.s32 @!p0 $0x1000;
	v8 =	vor.u32 v4, v9;
	v9 =	vsel vm15, $0xFFFF63C1, v5;
	s19 =	sadd.s32 $0x80000000, s18  }
0x88: {  	s31 =	spop (v2sf);
	vm3 =	vgt.u32 v11, $0x4E1F;
	[tilespmem:s17+$0x9C80] =	vst.msk vm2, v10;
	v8 =	vadd.s32 v8, v9;
	p0 =	slt.s32 s19, $0x1000;
	v9 =	vshll.u32 v11, $0x1  }
0x89: {  	s18 =	sadd.s32 s31, s19;
	[tilespmem:s17+$0xAD00] =	vst.msk vm2, v8;
	s19 =	simm.s32 @!p0 $0x1000;
	v8 =	vor.u32 v4, v9;
	v9 =	vsel vm3, $0xFFFF63C1, v5  }
0x8a: {  	s16 =	simm.s32 $0x70;
	s17 =	sadd.s32 $0x80000000, s18;
	[tilespmem:s19+$0x9C80] =	vst.msk vm1, v56;
	v8 =	vadd.s32 v8, v9  }
.LBB2_4:
0x8b: {  	p0 =	sne.s32 s16, $0x9C30  }
0x8c: {  	[tilespmem:s19+$0xAD00] =	vst.msk vm1, v8;
	s15 =	sadd.s32 $0x40, s15;
	s18 =	smov.u32 s16;
	s16 =	sadd.s32 $0x40, s16  }
0x8d: {  	v8 =	vld [tilespmem:s15+$0xFFFFFFE0];
	_ =	sdelay $0x1  }
0x8e: {  	v9 =	vld [tilespmem:s15+$0xFFFFFFF0];
	_ =	sdelay $0x1  }
0x8f: {  	v10 =	vld [tilespmem:s15+$0x0]  }
0x90: {  	vm4 =	vge.f32 v8, v7  }
0x91: {  	v11 =	vmpcnt.ones.xlane vm4;
	v12 =	vld [tilespmem:s15+$0x10]  }
0x92: {  	vm3 =	vge.f32 v9, v7  }
0x93: {  	v13 =	vmpcnt.ones.xlane vm3;
	v11 =	vxor.u32 $0x80000000, v11  }
0x94: {  	vm2 =	vge.f32 v10, v7;
	(xrf0) =	vmax.scan.msk.u32 $0xffff, v11  }
0x95: {  	v11 =	vmpcnt.ones.xlane vm2;
	v13 =	vxor.u32 $0x80000000, v13  }
0x96: {  	vm1 =	vge.f32 v12, v7;
	(xrf0) =	vmax.scan.msk.u32 $0xffff, v13  }
0x97: {  	v14 =	vmpcnt.ones.xlane vm1;
	v11 =	vxor.u32 $0x80000000, v11  }
0x98: {  	(xrf0) =	vmax.scan.msk.u32 $0xffff, v11  }
0x99: {  	v11 =	vxor.u32 $0x80000000, v14  }
0x9a: {  	v13, _, _ =	vpop (xrf0);
	(xrf0) =	vmax.scan.msk.u32 $0xffff, v11  }
0x9b: {  	(v2sf) =	vpush v13, $0xF  }
0x9c: {  	v11, _, _ =	vpop (xrf0)  }
0x9d: {  	(v2sf) =	vpush v11, $0xF  }
0x9e: {  	v11, _, _ =	vpop (xrf0)  }
0x9f: {  	(v2sf) =	vpush v11, $0xF  }
0xa0: {  	v11, _, _ =	vpop (xrf0)  }
0xa1: {  	(v2sf) =	vpush v11, $0xF;
	_ =	sdelay $0x7  }
0xa2: {  	s19 =	sadd.s32 $0xFFFFFFD0, s18  }
0xa3: {  	v11 =	vmov s19;
	s19 =	spop (v2sf)  }
0xa4: {  	p1 =	slt.s32 s17, $0x1000;
	s20 =	sadd.s32 $0xFFFFFFE0, s18;
	v13 =	vshll.u32 v11, $0x1;
	vm5 =	vgt.u32 v11, $0x4E1F;
	s19 =	sadd.s32 s19, s17  }
0xa5: {  	v14 =	vmov s20;
	v11 =	vor.u32 v4, v13;
	v13 =	vsel vm5, $0xFFFF63C1, v5;
	s17 =	simm.s32 @!p1 $0x1000;
	s19 =	sadd.s32 $0x80000000, s19;
	s20 =	spop (v2sf)  }
0xa6: {  	s21 =	sadd.s32 $0xFFFFFFF0, s18;
	vm5 =	vgt.u32 v14, $0x4E1F;
	[tilespmem:s17+$0x9C80] =	vst.msk vm4, v8;
	v8 =	vadd.s32 v11, v13;
	p1 =	slt.s32 s19, $0x1000;
	v11 =	vshll.u32 v14, $0x1;
	s20 =	sadd.s32 s20, s19  }
0xa7: {  	v13 =	vmov s21;
	[tilespmem:s17+$0xAD00] =	vst.msk vm4, v8;
	s19 =	simm.s32 @!p1 $0x1000;
	v8 =	vor.u32 v4, v11;
	v11 =	vsel vm5, $0xFFFF63C1, v5;
	s17 =	sadd.s32 $0x80000000, s20;
	s20 =	spop (v2sf)  }
.Ltmp3:
0xa8: {  	vm4 =	vgt.u32 v13, $0x4E1F;
	[tilespmem:s19+$0x9C80] =	vst.msk vm3, v9;
	v8 =	vadd.s32 v8, v11;
	p1 =	slt.s32 s17, $0x1000;
	v9 =	vshll.u32 v13, $0x1;
	s20 =	sadd.s32 s20, s17;
	(pc) =	sbr.rel @p0 .LBB2_4-.Ltmp3, $4  }
0xa9: {  	v11 =	vmov s18;
	[tilespmem:s19+$0xAD00] =	vst.msk vm3, v8;
	s17 =	simm.s32 @!p1 $0x1000;
	v8 =	vor.u32 v4, v9;
	v9 =	vsel vm4, $0xFFFF63C1, v5;
	s19 =	sadd.s32 $0x80000000, s20;
	s18 =	spop (v2sf)  }
0xaa: {  	vm3 =	vgt.u32 v11, $0x4E1F;
	[tilespmem:s17+$0x9C80] =	vst.msk vm2, v10;
	v8 =	vadd.s32 v8, v9;
	p1 =	slt.s32 s19, $0x1000;
	v9 =	vshll.u32 v11, $0x1;
	s18 =	sadd.s32 s18, s19  }
0xab: {  	[tilespmem:s17+$0xAD00] =	vst.msk vm2, v8;
	s19 =	simm.s32 @!p1 $0x1000;
	v8 =	vor.u32 v4, v9;
	v9 =	vsel vm3, $0xFFFF63C1, v5;
	s17 =	sadd.s32 $0x80000000, s18  }
0xac: {  	[tilespmem:s19+$0x9C80] =	vst.msk vm1, v12;
	v8 =	vadd.s32 v8, v9  }
0xad: {  	p1 =	sgt.s32 s17, $0x1000  }
.Ltmp4:
0xae: {  	_ = 	snop;
	(pc) =	sbr.rel @p1 .LBB2_6-.Ltmp4, $4  }
0xaf: {  	p0 =	slt.s32 s17, $0x1000  }
0xb0: {  	[tilespmem:s19+$0xAD00] =	vst.msk vm1, v8;
	s17 =	simm.s32 @!p0 $0x1000  }
0xb1: {  	[tilespmem:s17+$0x9C80] =	vst v0  }
0xb2: {  	[tilespmem:s17+$0xAD00] =	vst v6  }
.Ltmp5:
0xb3: {  	(pc) =	sbr.rel .LBB2_15-.Ltmp5, $4  }
0xb4: {  	_ = 	snop  }
0xb5: {  	s15 =	sadd.s32 $0xF, s17;
	v11 =	vimm.f32 $0.0e+00;
	v7 =	vimm.s32 $0x0  }
0xb6: {  	v8 =	vimm.s32 $0x0;
	v9 =	vimm.s32 $0x0;
	v10 =	vimm.s32 $0x0;
	s15 =	sshra.s32 s15, $0x4  }
0xb7: {  	s16 =	simm.s32 $0x0;
	v12 =	vimm.f32 $0.0e+00;
	v13 =	vimm.f32 $0.0e+00;
	v14 =	vimm.f32 $0.0e+00;
	p0 =	slt.s32 s15, $0x1  }
.LBB2_22:
0xb8: {  	v18 =	vld [tilespmem:s18+$0x0];
	_ =	sdelay $0x3  }
0xb9: {  	vm1 =	veq.s32 v17, v16  }
0xba: {  	v17 =	vsel vm1, $0xFF800000, v18  }
0xbb: {  	[tilespmem:s18+$0x0] =	vst v17  }
.LBB2_23:
0xbc: {  	s18 =	sshrl.u32 s16, $0x4  }
0xbd: {  	vm1 =	vmmov vm0;
	p1 =	seq.s32 s18, $0x0  }
0xbe: {  	s17 =	sand.u32 $0xF, s16;
	v15 =	vbroadcast v15, $0xF;
	vm3 =	vmmov vm0;
	vm1 =	vmneg @p1 vm1;
	p1 =	seq.s32 s18, $0x1  }
0xbf: {  	vm5 =	vmmov vm0;
	s16 =	sadd.s32 $0x1, s16;
	v17 =	vmov s17;
	vm3 =	vmneg @p1 vm3;
	p1 =	seq.s32 s18, $0x3  }
0xc0: {  	vm4 =	vmmov vm0;
	p2 =	seq.s32 s18, $0x2;
	vm2 =	veq.s32 v17, v2;
	vm5 =	vmneg @p1 vm5;
	p1 =	seq.s32 s16, $0x3C  }
.Ltmp6:
0xc1: {  	vm4 =	vmneg @p2 vm4;
	vm1 =	vmand vm2, vm1;
	(pc) =	sbr.rel @p1 .LBB2_24-.Ltmp6, $4  }
0xc2: {  	vm4 =	vmand vm2, vm4;
	v14 =	vsel vm1, v15, v14  }
0xc3: {  	vm3 =	vmand vm2, vm3;
	v12 =	vsel vm4, v15, v12;
	v10 =	vsel vm1, v16, v10  }
0xc4: {  	v8 =	vsel vm4, v16, v8;
	v13 =	vsel vm3, v15, v13;
	vm2 =	vmand vm2, vm5  }
0xc5: {  	v9 =	vsel vm3, v16, v9;
	v11 =	vsel vm2, v15, v11;
	v7 =	vsel vm2, v16, v7  }
.LBB2_15:
.Ltmp7:
0xc6: {  	(pc) =	sbr.rel @p0 .LBB2_23-.Ltmp7, $2  }
0xc7: {  	_ =	sdelay $0x2  }
0xc8: {  	v15 =	vmov v1;
	v16 =	vmov v3  }
0xc9: {  	p1 =	sne.s32 s15, $0x1  }
.Ltmp8:
0xca: {  	_ = 	snop;
	(pc) =	sbr.rel @!p1 .LBB2_18-.Ltmp8, $3  }
0xcb: {  	_ =	sdelay $0x1  }
0xcc: {  	s17 =	simm.s32 $0x9C80  }
0xcd: {  	v15 =	vimm.f32 $-Inf;
	s18 =	sadd.s32 $0xFFFFFFFF, s15;
	s19 =	simm.s32 $0x9C80;
	v16 =	vld [tilespmem:s17+$0x0]  }
.LBB2_17:
0xce: {  	p2 =	sne.s32 s18, $0x1  }
.Ltmp9:
0xcf: {  	_ = 	snop;
	(pc) =	sbr.rel @p2 .LBB2_17-.Ltmp9, $3  }
0xd0: {  	_ =	sdelay $0x1  }
0xd1: {  	s18 =	sadd.s32 $0xFFFFFFFF, s18;
	s19 =	sadd.s32 $0x10, s19;
	v15 =	vmax.f32 v15, v16  }
0xd2: {  	v16 =	vld [tilespmem:s19+$0x0]  }
.LBB2_18:
0xd3: {  	_ =	sdelay $0x3  }
0xd4: {  	v15 =	vmax.f32 v15, v16  }
0xd5: {  	(xrf0) =	vmax.scan.msk.f32 $0xffff, v15;
	_ =	sdelay $0x3  }
0xd6: {  	v19 =	vld [tilespmem:s17+$0x0];
	s17 =	simm.s32 $0xAD00  }
.Ltmp10:
0xd7: {  	v18 =	vld [tilespmem:s17+$0x0];
	(pc) =	sbr.rel @!p1 .LBB2_20-.Ltmp10, $3  }
0xd8: {  	v15, _, _ =	vpop (xrf0)  }
0xd9: {  	v17 =	vbroadcast v15, $0xF;
	_ =	sdelay $0x1  }
0xda: {  	s18 =	sadd.s32 $0xFFFFFFFF, s15;
	s19 =	simm.s32 $0x9C90;
	s20 =	simm.s32 $0xAD00;
	v16 =	vimm.s32 $0x7FFFFFFF;
	vm1 =	veq.f32 v19, v17  }
.LBB2_19:
0xdb: {  	v19 =	vld [tilespmem:s19+$0x0];
	p2 =	sne.s32 s18, $0x1;
	s18 =	sadd.s32 $0xFFFFFFFF, s18;
	v20 =	vnsel vm1, $0x7FFFFFFF, v18;
	s20 =	sadd.s32 $0x10, s20  }
.Ltmp11:
0xdc: {  	v18 =	vld [tilespmem:s20+$0x0];
	vm1 =	vlt.s32 v16, v20;
	(pc) =	sbr.rel @p2 .LBB2_19-.Ltmp11, $2  }
0xdd: {  	v16 =	vsel vm1, v16, v20;
	_ =	sdelay $0x2  }
0xde: {  	s19 =	sadd.s32 $0x10, s19;
	vm1 =	veq.f32 v19, v17  }
.LBB2_20:
0xdf: {  	v17 =	vnsel vm1, $0x7FFFFFFF, v18  }
0xe0: {  	vm1 =	vlt.s32 v16, v17  }
0xe1: {  	v16 =	vsel vm1, v16, v17  }
0xe2: {  	v16 =	vsub.s32 $0x80000000, v16  }
0xe3: {  	(xrf0) =	vmax.scan.msk.u32 $0xffff, v16;
	_ =	sdelay $0x5  }
0xe4: {  	v16, _, _ =	vpop (xrf0)  }
0xe5: {  	(v2sf) =	vpush v16, $0xF;
	_ =	sdelay $0xd  }
.Ltmp12:
0xe6: {  	_ = 	snop;
	(pc) =	sbr.rel @!p1 .LBB2_22-.Ltmp12, $4  }
0xe7: {  	s18 =	spop (v2sf)  }
0xe8: {  	s18 =	sxor.u32 $0x7FFFFFFF, s18  }
0xe9: {  	s18 =	sadd.s32 $0x1, s18  }
0xea: {  	s19 =	sadd.s32 $0xFFFFFFFF, s15;
	v17 =	vld [tilespmem:s17+$0x0];
	v16 =	vmov s18;
	s18 =	simm.s32 $0x9C80  }
.LBB2_21:
0xeb: {  	p1 =	sne.s32 s19, $0x1;
	v18 =	vld [tilespmem:s18+$0x0];
	_ =	sdelay $0x2  }
.Ltmp13:
0xec: {  	(pc) =	sbr.rel @p1 .LBB2_21-.Ltmp13, $4  }
0xed: {  	vm1 =	veq.s32 v17, v16  }
0xee: {  	v17 =	vsel vm1, $0xFF800000, v18  }
0xef: {  	s17 =	sadd.s32 $0x10, s17;
	[tilespmem:s18+$0x0] =	vst v17  }
0xf0: {  	s19 =	sadd.s32 $0xFFFFFFFF, s19;
	s18 =	sadd.s32 $0x10, s18;
	v17 =	vld [tilespmem:s17+$0x0]  }
.Ltmp14:
0xf1: {  	_ = 	snop;
	(pc) =	sbr.rel .LBB2_22-.Ltmp14, $1  }
0xf2: {  	_ =	sdelay $0x3  }
.LBB2_6:
0xf3: {  	v11 =	vimm.f32 $0.0e+00;
	v7 =	vimm.s32 $0x0  }
0xf4: {  	v8 =	vimm.s32 $0x0;
	v9 =	vimm.s32 $0x0;
	v10 =	vimm.s32 $0x0  }
0xf5: {  	s15 =	simm.s32 $0x0;
	v12 =	vimm.f32 $0.0e+00;
	v13 =	vimm.f32 $0.0e+00;
	v14 =	vimm.f32 $0.0e+00  }
.LBB2_7:
0xf6: {  	s17 =	simm.s32 $0x0  }
0xf7: {  	v15 =	vimm.f32 $-Inf;
	s16 =	simm.s32 $0x40;
	v16 =	vld [tilespmem:s17+$0x0]  }
.LBB2_8:
0xf8: {  	p0 =	sne.s32 s16, $0x270C0  }
.Ltmp15:
0xf9: {  	_ = 	snop;
	(pc) =	sbr.rel @p0 .LBB2_8-.Ltmp15, $3  }
0xfa: {  	_ =	sdelay $0x1  }
0xfb: {  	s17 =	sshra.s32 s16, $0x2;
	s16 =	sadd.s32 $0x40, s16;
	v15 =	vmax.f32 v15, v16  }
0xfc: {  	v16 =	vld [tilespmem:s17+$0x0]  }
0xfd: {  	_ =	sdelay $0x3  }
0xfe: {  	v15 =	vmax.f32 v15, v16  }
0xff: {  	(xrf0) =	vmax.scan.msk.f32 $0xffff, v15;
	_ =	sdelay $0x2  }
0x100: {  	s16 =	simm.s32 $0x0  }
0x101: {  	v18 =	vld [tilespmem:s16+$0x0];
	_ =	sdelay $0x1  }
0x102: {  	v16 =	vmov s16;
	v15, _, _ =	vpop (xrf0)  }
0x103: {  	v17 =	vshll.u32 v16, $0x1;
	vm1 =	vgt.u32 v16, $0x4E1F;
	v15 =	vbroadcast v15, $0xF  }
0x104: {  	v17 =	vor.u32 v4, v17;
	v19 =	vsel vm1, $0xFFFF63C1, v5  }
0x105: {  	s17 =	simm.s32 $0x10;
	s16 =	simm.s32 $0x10;
	v16 =	vimm.s32 $0x7FFFFFFF;
	v17 =	vadd.s32 v17, v19;
	vm1 =	veq.f32 v18, v15  }
.LBB2_10:
0x106: {  	v18 =	vld [tilespmem:s17+$0x0];
	p0 =	sne.s32 s16, $0x9C30;
	v17 =	vnsel vm1, $0x7FFFFFFF, v17;
	s18 =	smov.u32 s16;
	s16 =	sadd.s32 $0x10, s16  }
.Ltmp16:
0x107: {  	vm1 =	vlt.s32 v16, v17;
	(pc) =	sbr.rel @p0 .LBB2_10-.Ltmp16, $4  }
0x108: {  	v19 =	vmov s18;
	v16 =	vsel vm1, v16, v17  }
0x109: {  	v17 =	vshll.u32 v19, $0x1;
	vm1 =	vgt.u32 v19, $0x4E1F  }
0x10a: {  	v17 =	vor.u32 v4, v17;
	v19 =	vsel vm1, $0xFFFF63C1, v5  }
0x10b: {  	s17 =	sadd.s32 $0x10, s17;
	v17 =	vadd.s32 v17, v19;
	vm1 =	veq.f32 v18, v15  }
0x10c: {  	v17 =	vnsel vm1, $0x7FFFFFFF, v17  }
0x10d: {  	vm1 =	vlt.s32 v16, v17  }
0x10e: {  	v16 =	vsel vm1, v16, v17  }
0x10f: {  	v16 =	vsub.s32 $0x80000000, v16  }
0x110: {  	(xrf0) =	vmax.scan.msk.u32 $0xffff, v16;
	_ =	sdelay $0x5  }
0x111: {  	v16, _, _ =	vpop (xrf0)  }
0x112: {  	(v2sf) =	vpush v16, $0xF;
	_ =	sdelay $0xe  }
0x113: {  	s16 =	spop (v2sf)  }
0x114: {  	s16 =	sxor.u32 $0x7FFFFFFF, s16  }
0x115: {  	s17 =	sadd.s32 $0x1, s16;
	s16 =	simm.s32 $0x0  }
0x116: {  	v16 =	vmov s17;
	v17 =	vld [tilespmem:s16+$0x0];
	v18 =	vmov s16;
	s17 =	simm.s32 $0x10  }
.LBB2_12:
0x117: {  	p0 =	sne.s32 s17, $0x9C30;
	v19 =	vshll.u32 v18, $0x1;
	vm1 =	vgt.u32 v18, $0x4E1F  }
0x118: {  	v18 =	vor.u32 v4, v19;
	v19 =	vsel vm1, $0xFFFF63C1, v5  }
.Ltmp17:
0x119: {  	v18 =	vadd.s32 v18, v19;
	(pc) =	sbr.rel @p0 .LBB2_12-.Ltmp17, $4  }
0x11a: {  	vm1 =	veq.s32 v18, v16  }
0x11b: {  	v17 =	vsel vm1, $0xFF800000, v17  }
0x11c: {  	[tilespmem:s16+$0x0] =	vst v17;
	s16 =	sadd.s32 $0x10, s16  }
0x11d: {  	v18 =	vmov s17;
	s17 =	sadd.s32 $0x10, s17;
	v17 =	vld [tilespmem:s16+$0x0]  }
0x11e: {  	v19 =	vshll.u32 v18, $0x1;
	vm1 =	vgt.u32 v18, $0x4E1F  }
0x11f: {  	s17 =	sand.u32 $0xF, s15;
	s18 =	sshrl.u32 s15, $0x4;
	vm2 =	vmmov vm0;
	vm3 =	vmmov vm0;
	vm5 =	vmmov vm0  }
0x120: {  	v61 =	vor.u32 v4, v19;
	v62 =	vsel vm1, $0xFFFF63C1, v5;
	v63 =	vmov s17;
	p0 =	seq.s32 s18, $0x0  }
0x121: {  	s15 =	sadd.s32 $0x1, s15;
	p1 =	seq.s32 s18, $0x1;
	v18 =	vadd.s32 v61, v62;
	vm4 =	veq.s32 v63, v2;
	vm2 =	vmneg @p0 vm2;
	p0 =	seq.s32 s18, $0x2  }
0x122: {  	vm3 =	vmneg @p1 vm3;
	vm1 =	veq.s32 v18, v16;
	vm5 =	vmneg @p0 vm5;
	p0 =	sne.s32 s15, $0x3C  }
.Ltmp18:
0x123: {  	vm3 =	vmand vm4, vm3;
	v17 =	vsel vm1, $0xFF800000, v17;
	vm1 =	vmand vm4, vm2;
	(pc) =	sbr.rel @p0 .LBB2_7-.Ltmp18, $4  }
.Ltmp19:
0x124: {  	p1 =	seq.s32 s18, $0x3;
	vm2 =	vmmov vm0;
	vm5 =	vmand vm4, vm5;
	v13 =	vsel vm3, v15, v13;
	(pc) =	sbr.rel @!p0 .LBB2_24-.Ltmp19, $4  }
0x125: {  	v9 =	vsel vm3, v16, v9;
	vm2 =	vmneg @p1 vm2;
	v14 =	vsel vm1, v15, v14  }
0x126: {  	v12 =	vsel vm5, v15, v12;
	v10 =	vsel vm1, v16, v10;
	vm2 =	vmand vm4, vm2  }
0x127: {  	[tilespmem:s16+$0x0] =	vst v17;
	v8 =	vsel vm5, v16, v8;
	v11 =	vsel vm2, v15, v11;
	v7 =	vsel vm2, v16, v7  }
0x128: {  	_ = 	snop  }
.LBB2_25:
0x129: {  	_ =	sfence.sel $0x180000  }
0x12a: {  	[bflag:$0x0] =	sbarrier.arrive $0xFFFF  }
0x12b: {  	p0 =	sne.s32 s2, $0x0;
	_ =	strace $0x90000047  }
0x12c: {  	s0 =	sadd.s32 @!p0 $0x100000, s0;
	[bflag:$0x2] =	sbarrier.arrive $0xFFFF  }
0x12d: {  	[sflag:s0] =	ssyncadd.tile.s32 @!p0 $0x1;
	_ =	shalt  }
.Lfunc_end2:
_tile_overlayer_lowered:
.L_overlay_start_2:
0x12e: {  	(tag) =	ssettag $0x2  }
0x12f: {  	s0 =	rddreg [dreg:$0x0];
	s2 =	stileid.u32  }
0x130: {  	s1 =	rddreg [dreg:$0x1];
	p0 =	sne.s32 s2, $0x0  }
0x131: {  	s3 =	rddreg [dreg:$0x2];
	[bflag:$0x3] =	sbarrier.arrive $0xFFFF;
	s2 =	simm.s32 @!p0 $0x1C01  }
0x132: {  	[timem:s3], [sflag:s2] =	dma.local @!p0 [hbm:s0], s1  }
0x133: {  	s0 =	simm.s32 @!p0 $0x1  }
0x134: {  	_ =	swait.ge @!p0 [sflag:s0], s1  }
0x135: {  	s1 =	ssub.s32 @!p0 $0x0, s1;
	[sflag:s0] =	ssyncset.done @!p0 $0x0  }
0x136: {  	[sflag:s0] =	ssyncadd.s32 @!p0 s1  }
0x137: {  	[bflag:$0x3] =	sbarrier.arrive $0xFFFF  }
0x138: {  	_ =	shalt  }

</sc_bundles>
